<compile_context>
chip_gen: v7x
topology: tpu7x:2x2x1
jax: 0.10.2.dev20260603
libtpu: 0.0.44.dev20260713+nightly
codegen_flags: <defaults>
</compile_context>

<pallas_src>
import functools

import jax
import jax.numpy as jnp
from jax import lax
from jax.experimental import pallas as pl
from jax.experimental.pallas import tpu as pltpu
from jax.experimental.pallas import tpu_sc as plsc

N_NODES = 10000
N_PAD = 10240
D = 128
EPS = 1e-5

NC = 2
NS = 16
NW = NC * NS

E_CHUNK = 128


def _sc_segment_sum(x, eflat):
    rows_per_tile = N_PAD // NS
    E = eflat.shape[0] // 2
    n_total = E // E_CHUNK
    base = n_total // NW
    rem = n_total % NW

    mesh = plsc.VectorSubcoreMesh(core_axis_name="c", subcore_axis_name="s")

    @functools.partial(
        pl.kernel,
        out_type=jax.ShapeDtypeStruct((NC, N_NODES, D), jnp.float32),
        mesh=mesh,
        scratch_types=[
            pltpu.VMEM((E_CHUNK,), jnp.int32),
            pltpu.VMEM((E_CHUNK,), jnp.int32),
            pltpu.VMEM((E_CHUNK,), jnp.int32),
            pltpu.VMEM((E_CHUNK,), jnp.int32),
            pltpu.VMEM((E_CHUNK, D), jnp.float32),
            pltpu.VMEM((E_CHUNK, D), jnp.float32),
            pltpu.VMEM_SHARED((N_PAD, D), jnp.float32),
            pltpu.SemaphoreType.DMA,
            pltpu.SemaphoreType.DMA,
            pltpu.SemaphoreType.DMA,
            pltpu.SemaphoreType.DMA,
            pltpu.SemaphoreType.DMA,
            pltpu.SemaphoreType.DMA,
            pltpu.SemaphoreType.DMA,
            pltpu.SemaphoreType.DMA,
        ],
    )
    def k(x_hbm, e_hbm, out_hbm, sbuf_a, sbuf_b, didx_a, didx_b,
          rows_a, rows_b, agg, sem_a, sem_b, dsem_a, dsem_b,
          ssem_a, ssem_b, scsem_a, scsem_b):
        cid = lax.axis_index("c")
        sid = lax.axis_index("s")
        wid = cid * NS + sid
        n_i = jnp.where(wid < rem, base + 1, base)

        def soff(i):
            return (wid + i * NW) * E_CHUNK

        def doff(i):
            return E + (wid + i * NW) * E_CHUNK

        zero16 = jnp.zeros((16,), jnp.float32)

        def zfill(r, carry):
            for j in range(D // 16):
                rows_a[r, pl.ds(j * 16, 16)] = zero16
            return carry

        lax.fori_loop(0, E_CHUNK, zfill, 0)
        row0 = sid * rows_per_tile
        for j in range(rows_per_tile // E_CHUNK):
            pltpu.async_copy(rows_a,
                             agg.at[pl.ds(row0 + j * E_CHUNK, E_CHUNK)],
                             sem_a)
        for j in range(rows_per_tile // E_CHUNK):
            pltpu.make_async_copy(
                rows_a, agg.at[pl.ds(row0 + j * E_CHUNK, E_CHUNK)],
                sem_a).wait()

        plsc.subcore_barrier()

        pltpu.async_copy(e_hbm.at[pl.ds(soff(0), E_CHUNK)], sbuf_a, scsem_a)
        pltpu.async_copy(e_hbm.at[pl.ds(soff(1), E_CHUNK)], sbuf_b, scsem_b)
        pltpu.async_copy(e_hbm.at[pl.ds(doff(0), E_CHUNK)], didx_a, dsem_a)
        pltpu.make_async_copy(
            e_hbm.at[pl.ds(soff(0), E_CHUNK)], sbuf_a, scsem_a).wait()
        pltpu.async_copy(x_hbm.at[sbuf_a], rows_a, sem_a)

        def step(i, sbuf, scsem, rows, sem, didx, dsem, ssem,
                 nsbuf, nscsem, nrows, nsem, ndidx, ndsem, nssem):
            @pl.when(i + 1 < n_i)
            def _():
                @pl.when(i >= 1)
                def _():
                    pltpu.make_async_copy(nrows, agg.at[ndidx], nssem).wait()

                pltpu.make_async_copy(
                    e_hbm.at[pl.ds(soff(i + 1), E_CHUNK)],
                    nsbuf, nscsem).wait()
                pltpu.async_copy(
                    e_hbm.at[pl.ds(doff(i + 1), E_CHUNK)], ndidx, ndsem)
                pltpu.async_copy(x_hbm.at[nsbuf], nrows, nsem)

            pltpu.make_async_copy(x_hbm.at[sbuf], rows, sem).wait()

            @pl.when(i + 2 < n_i)
            def _():
                pltpu.async_copy(
                    e_hbm.at[pl.ds(soff(i + 2), E_CHUNK)], sbuf, scsem)

            pltpu.make_async_copy(
                e_hbm.at[pl.ds(doff(i), E_CHUNK)], didx, dsem).wait()
            pltpu.async_copy(rows, agg.at[didx], ssem, add=True)

        def body(i, carry):
            @pl.when(lax.rem(i, 2) == 0)
            def _():
                step(i, sbuf_a, scsem_a, rows_a, sem_a, didx_a, dsem_a,
                     ssem_a, sbuf_b, scsem_b, rows_b, sem_b, didx_b,
                     dsem_b, ssem_b)

            @pl.when(lax.rem(i, 2) == 1)
            def _():
                step(i, sbuf_b, scsem_b, rows_b, sem_b, didx_b, dsem_b,
                     ssem_b, sbuf_a, scsem_a, rows_a, sem_a, didx_a,
                     dsem_a, ssem_a)

            return carry

        lax.fori_loop(0, n_i, body, 0)
        pltpu.make_async_copy(rows_a, agg.at[didx_a], ssem_a).wait()
        pltpu.make_async_copy(rows_b, agg.at[didx_b], ssem_b).wait()

        plsc.subcore_barrier()

        last = N_NODES - (NS - 1) * rows_per_tile

        @pl.when(sid < NS - 1)
        def _():
            pltpu.sync_copy(agg.at[pl.ds(row0, rows_per_tile)],
                            out_hbm.at[cid, pl.ds(row0, rows_per_tile)])

        @pl.when(sid == NS - 1)
        def _():
            pltpu.sync_copy(agg.at[pl.ds((NS - 1) * rows_per_tile, last)],
                            out_hbm.at[cid, pl.ds((NS - 1) * rows_per_tile, last)])

    return k(x, eflat)


def _tc_finish(partials, x, W_rel, W_root, b2, g2, be2):
    BLK = 1000
    n_blk = N_NODES // BLK

    def body(p_ref, x_ref, wr_ref, wt_ref, b_ref, g_ref, be_ref, o_ref,
             h_scr, s_scr, s2_scr):
        ph = pl.program_id(0)
        i = pl.program_id(1)

        @pl.when(ph == 0)
        def _():
            a = p_ref[0] + p_ref[1]
            h = lax.dot_general(a, wr_ref[...], (((1,), (1,)), ((), ())),
                                preferred_element_type=jnp.float32)
            h = h + lax.dot_general(x_ref[...], wt_ref[...],
                                    (((1,), (1,)), ((), ())),
                                    preferred_element_type=jnp.float32)
            h = h + b_ref[...]
            h_scr[pl.ds(i * BLK, BLK), :] = h
            o_ref[...] = h

            @pl.when(i == 0)
            def _():
                s_scr[...] = jnp.zeros((1, D), jnp.float32)
                s2_scr[...] = jnp.zeros((1, D), jnp.float32)

            s_scr[...] += jnp.sum(h, axis=0, keepdims=True)
            s2_scr[...] += jnp.sum(h * h, axis=0, keepdims=True)

        @pl.when(ph == 1)
        def _():
            mean = s_scr[...] * (1.0 / N_NODES)
            var = s2_scr[...] * (1.0 / N_NODES) - mean * mean
            scale = g_ref[...] * lax.rsqrt(var + EPS)
            shift = be_ref[...] - mean * scale
            h = h_scr[pl.ds(i * BLK, BLK), :]
            o_ref[...] = jnp.maximum(h * scale + shift, 0.0)

    return pl.pallas_call(
        body,
        grid=(2, n_blk),
        in_specs=[
            pl.BlockSpec((NC, BLK, D), lambda ph, i: (0, (1 - ph) * i, 0)),
            pl.BlockSpec((BLK, D), lambda ph, i: ((1 - ph) * i, 0)),
            pl.BlockSpec((D, D), lambda ph, i: (0, 0)),
            pl.BlockSpec((D, D), lambda ph, i: (0, 0)),
            pl.BlockSpec((1, D), lambda ph, i: (0, 0)),
            pl.BlockSpec((1, D), lambda ph, i: (0, 0)),
            pl.BlockSpec((1, D), lambda ph, i: (0, 0)),
        ],
        out_specs=pl.BlockSpec((BLK, D), lambda ph, i: (i, 0)),
        scratch_shapes=[
            pltpu.VMEM((N_NODES, D), jnp.float32),
            pltpu.VMEM((1, D), jnp.float32),
            pltpu.VMEM((1, D), jnp.float32),
        ],
        out_shape=jax.ShapeDtypeStruct((N_NODES, D), jnp.float32),
    )(partials, x, W_rel, W_root, b2, g2, be2)


def kernel(x, edge_index, batch, W_rel, W_root, b_rel, gamma, beta):
    del batch
    ei = edge_index.astype(jnp.int32)
    E = ei.shape[1]
    eflat = ei.reshape(2 * E)
    partials = _sc_segment_sum(x, eflat)
    return _tc_finish(partials, x, W_rel, W_root,
                      b_rel.reshape(1, D), gamma.reshape(1, D),
                      beta.reshape(1, D))

# --- scband reference (transcript-rebuilt; emitter-appended) ---
"""Pipeline reference for scband-gconv-block-46462956208151 (READ-ONLY COPY).

The authoritative reference and input builder live on the scoring server;
editing this copy changes nothing except your own understanding.
"""

import jax, jax.numpy as jnp
import numpy as np

N_NODES = 10000
N_EDGES = 320000
D_FEAT = 128
D_OUT = 128
EPS = 1e-5


def setup_inputs(seed: int = 0) -> dict:
    key = jax.random.key(seed)
    k_x, k_ei, k_b, k_wr, k_wroot, k_bias = jax.random.split(key, 6)
    x = jax.random.normal(k_x, (N_NODES, D_FEAT), dtype=jnp.float32)
    edge_index = jax.random.randint(k_ei, (2, N_EDGES), 0, N_NODES, dtype=jnp.int64)
    batch = jnp.sort(jax.random.randint(k_b, (N_NODES,), 0, 64, dtype=jnp.int64))
    # GraphConv parameters: lin_rel (on aggregated neighbors, with bias), lin_root (on self, no bias)
    scale = 1.0 / np.sqrt(D_FEAT)
    W_rel = jax.random.uniform(k_wr, (D_OUT, D_FEAT), dtype=jnp.float32, minval=-scale, maxval=scale)
    W_root = jax.random.uniform(k_wroot, (D_OUT, D_FEAT), dtype=jnp.float32, minval=-scale, maxval=scale)
    b_rel = jax.random.uniform(k_bias, (D_OUT,), dtype=jnp.float32, minval=-scale, maxval=scale)
    # BatchNorm affine parameters
    gamma = jnp.ones((D_OUT,), dtype=jnp.float32)
    beta = jnp.zeros((D_OUT,), dtype=jnp.float32)
    return {"x": x, "edge_index": edge_index, "batch": batch, "W_rel": W_rel, "W_root": W_root, "b_rel": b_rel, "gamma": gamma, "beta": beta}


def reference(x, edge_index, batch, W_rel, W_root, b_rel, gamma, beta):
    # --- GraphConv (PyG): out_i = W_rel @ (sum_{j in N(i)} x_j) + W_root @ x_i + b ---
    src = edge_index[0]
    dst = edge_index[1]
    msgs = jnp.take(x, src, axis=0)                       # gather [E, d]
    agg = jax.ops.segment_sum(msgs, dst, num_segments=x.shape[0])  # scatter-add [N, d]
    out = agg @ W_rel.T + x @ W_root.T + b_rel
    # --- BatchNorm (training mode: batch statistics, biased var) ---
    mean = jnp.mean(out, axis=0)
    var = jnp.mean((out - mean) ** 2, axis=0)
    out = (out - mean) / jnp.sqrt(var + EPS) * gamma + beta
    # --- ReLU ---
    out = jax.nn.relu(out)
    # pooling=None, dropout=None -> identity
    return out

if __name__ == "__main__":
    import jax
    _d = setup_inputs()
    print(jax.jit(kernel)(*tuple(_d.values())))

</pallas_src>

<mosaic_0001>
#map = affine_map<(d0, d1) -> (0, 0)>
#map1 = affine_map<(d0, d1) -> (0)>
#map2 = affine_map<(d0, d1) -> (0, 0, 0)>
module attributes {stable_mosaic.version = 14 : i64} {
  func.func @k(%arg0: i32, %arg1: i32, %arg2: memref<10000x128xf32, #tpu.memory_space<hbm>>, %arg3: memref<640000xi32, #tpu.memory_space<hbm>>, %arg4: memref<2x10000x128xf32, #tpu.memory_space<hbm>>, %arg5: memref<128xi32, #tpu.memory_space<vmem>>, %arg6: memref<128xi32, #tpu.memory_space<vmem>>, %arg7: memref<128xi32, #tpu.memory_space<vmem>>, %arg8: memref<128xi32, #tpu.memory_space<vmem>>, %arg9: memref<128x128xf32, #tpu.memory_space<vmem>>, %arg10: memref<128x128xf32, #tpu.memory_space<vmem>>, %arg11: memref<10240x128xf32, #tpu.memory_space<vmem_shared>>, %arg12: memref<!tpu.dma_semaphore, #tpu.memory_space<semaphore_mem>>, %arg13: memref<!tpu.dma_semaphore, #tpu.memory_space<semaphore_mem>>, %arg14: memref<!tpu.dma_semaphore, #tpu.memory_space<semaphore_mem>>, %arg15: memref<!tpu.dma_semaphore, #tpu.memory_space<semaphore_mem>>, %arg16: memref<!tpu.dma_semaphore, #tpu.memory_space<semaphore_mem>>, %arg17: memref<!tpu.dma_semaphore, #tpu.memory_space<semaphore_mem>>, %arg18: memref<!tpu.dma_semaphore, #tpu.memory_space<semaphore_mem>>, %arg19: memref<!tpu.dma_semaphore, #tpu.memory_space<semaphore_mem>>) attributes {dimension_semantics = [#tpu.dimension_semantics<core_parallel>, #tpu.dimension_semantics<subcore_parallel>], iteration_bounds = array<i64: 2, 16>, scalar_prefetch = 0 : i64, scratch_operands = 15 : i64, tpu.core_type = #tpu.core_type<sc_vector_subcore>, window_params = [{transform_indices = #map}, {transform_indices = #map1}, {transform_indices = #map2}]} {
    %mul3A = arith.constant 16 : i32
    %mul3A_0 = arith.muli %arg0, %mul3A : i32
    %add3A = arith.addi %mul3A_0, %arg1 : i32
    %lt3A = arith.constant 4 : i32
    %lt3A_1 = arith.cmpi slt, %add3A, %lt3A : i32
    %jit3A = arith.constant 79 : i32
    %jit3A_2 = arith.constant 78 : i32
    %select_n3A = arith.select %lt3A_1, %jit3A, %jit3A_2 : i32
    %broadcast_in_dim3A = arith.constant 0.000000e+00 : f32
    %broadcast_in_dim3A_3 = vector.broadcast %broadcast_in_dim3A : f32 to vector<16xf32>
    %scan3A = arith.constant 0 : i32
    %scan3A_4 = arith.constant 0 : i32
    %scan3A_5 = arith.constant 128 : i32
    %scan3A_6 = arith.addi %scan3A_4, %scan3A_5 : i32
    %scan3A_7 = arith.constant 1 : i32
    scf.for %scan3A_121 = %scan3A_4 to %scan3A_6 step %scan3A_7  : i32 {
      %swap3A = arith.index_cast %scan3A_121 : i32 to index
      %swap3A_122 = arith.constant 0 : index
      %swap3A_123 = tpu.vector_load %arg9[%swap3A, %swap3A_122] {strides = array<i32>} : memref<128x128xf32, #tpu.memory_space<vmem>>, vector<1x16xf32>,
      %swap3A_124 = vector.shape_cast %swap3A_123 : vector<1x16xf32> to vector<16xf32>
      %swap3A_125 = vector.shape_cast %broadcast_in_dim3A_3 : vector<16xf32> to vector<1x16xf32>
      tpu.vector_store %arg9[%swap3A, %swap3A_122], %swap3A_125 {strides = array<i32>} : memref<128x128xf32, #tpu.memory_space<vmem>>, vector<1x16xf32>,
      %swap3A_126 = arith.index_cast %scan3A_121 : i32 to index
      %swap3A_127 = arith.constant 16 : index
      %swap3A_128 = tpu.vector_load %arg9[%swap3A_126, %swap3A_127] {strides = array<i32>} : memref<128x128xf32, #tpu.memory_space<vmem>>, vector<1x16xf32>,
      %swap3A_129 = vector.shape_cast %swap3A_128 : vector<1x16xf32> to vector<16xf32>
      %swap3A_130 = vector.shape_cast %broadcast_in_dim3A_3 : vector<16xf32> to vector<1x16xf32>
      tpu.vector_store %arg9[%swap3A_126, %swap3A_127], %swap3A_130 {strides = array<i32>} : memref<128x128xf32, #tpu.memory_space<vmem>>, vector<1x16xf32>,
      %swap3A_131 = arith.index_cast %scan3A_121 : i32 to index
      %swap3A_132 = arith.constant 32 : index
      %swap3A_133 = tpu.vector_load %arg9[%swap3A_131, %swap3A_132] {strides = array<i32>} : memref<128x128xf32, #tpu.memory_space<vmem>>, vector<1x16xf32>,
      %swap3A_134 = vector.shape_cast %swap3A_133 : vector<1x16xf32> to vector<16xf32>
      %swap3A_135 = vector.shape_cast %broadcast_in_dim3A_3 : vector<16xf32> to vector<1x16xf32>
      tpu.vector_store %arg9[%swap3A_131, %swap3A_132], %swap3A_135 {strides = array<i32>} : memref<128x128xf32, #tpu.memory_space<vmem>>, vector<1x16xf32>,
      %swap3A_136 = arith.index_cast %scan3A_121 : i32 to index
      %swap3A_137 = arith.constant 48 : index
      %swap3A_138 = tpu.vector_load %arg9[%swap3A_136, %swap3A_137] {strides = array<i32>} : memref<128x128xf32, #tpu.memory_space<vmem>>, vector<1x16xf32>,
      %swap3A_139 = vector.shape_cast %swap3A_138 : vector<1x16xf32> to vector<16xf32>
      %swap3A_140 = vector.shape_cast %broadcast_in_dim3A_3 : vector<16xf32> to vector<1x16xf32>
      tpu.vector_store %arg9[%swap3A_136, %swap3A_137], %swap3A_140 {strides = array<i32>} : memref<128x128xf32, #tpu.memory_space<vmem>>, vector<1x16xf32>,
      %swap3A_141 = arith.index_cast %scan3A_121 : i32 to index
      %swap3A_142 = arith.constant 64 : index
      %swap3A_143 = tpu.vector_load %arg9[%swap3A_141, %swap3A_142] {strides = array<i32>} : memref<128x128xf32, #tpu.memory_space<vmem>>, vector<1x16xf32>,
      %swap3A_144 = vector.shape_cast %swap3A_143 : vector<1x16xf32> to vector<16xf32>
      %swap3A_145 = vector.shape_cast %broadcast_in_dim3A_3 : vector<16xf32> to vector<1x16xf32>
      tpu.vector_store %arg9[%swap3A_141, %swap3A_142], %swap3A_145 {strides = array<i32>} : memref<128x128xf32, #tpu.memory_space<vmem>>, vector<1x16xf32>,
      %swap3A_146 = arith.index_cast %scan3A_121 : i32 to index
      %swap3A_147 = arith.constant 80 : index
      %swap3A_148 = tpu.vector_load %arg9[%swap3A_146, %swap3A_147] {strides = array<i32>} : memref<128x128xf32, #tpu.memory_space<vmem>>, vector<1x16xf32>,
      %swap3A_149 = vector.shape_cast %swap3A_148 : vector<1x16xf32> to vector<16xf32>
      %swap3A_150 = vector.shape_cast %broadcast_in_dim3A_3 : vector<16xf32> to vector<1x16xf32>
      tpu.vector_store %arg9[%swap3A_146, %swap3A_147], %swap3A_150 {strides = array<i32>} : memref<128x128xf32, #tpu.memory_space<vmem>>, vector<1x16xf32>,
      %swap3A_151 = arith.index_cast %scan3A_121 : i32 to index
      %swap3A_152 = arith.constant 96 : index
      %swap3A_153 = tpu.vector_load %arg9[%swap3A_151, %swap3A_152] {strides = array<i32>} : memref<128x128xf32, #tpu.memory_space<vmem>>, vector<1x16xf32>,
      %swap3A_154 = vector.shape_cast %swap3A_153 : vector<1x16xf32> to vector<16xf32>
      %swap3A_155 = vector.shape_cast %broadcast_in_dim3A_3 : vector<16xf32> to vector<1x16xf32>
      tpu.vector_store %arg9[%swap3A_151, %swap3A_152], %swap3A_155 {strides = array<i32>} : memref<128x128xf32, #tpu.memory_space<vmem>>, vector<1x16xf32>,
      %swap3A_156 = arith.index_cast %scan3A_121 : i32 to index
      %swap3A_157 = arith.constant 112 : index
      %swap3A_158 = tpu.vector_load %arg9[%swap3A_156, %swap3A_157] {strides = array<i32>} : memref<128x128xf32, #tpu.memory_space<vmem>>, vector<1x16xf32>,
      %swap3A_159 = vector.shape_cast %swap3A_158 : vector<1x16xf32> to vector<16xf32>
      %swap3A_160 = vector.shape_cast %broadcast_in_dim3A_3 : vector<16xf32> to vector<1x16xf32>
      tpu.vector_store %arg9[%swap3A_156, %swap3A_157], %swap3A_160 {strides = array<i32>} : memref<128x128xf32, #tpu.memory_space<vmem>>, vector<1x16xf32>,
    }
    %scan3A_8 = arith.constant 128 : i32
    %mul3A_9 = arith.constant 640 : i32
    %mul3A_10 = arith.muli %arg1, %mul3A_9 : i32
    %add3A_11 = arith.constant 0 : i32
    %add3A_12 = arith.addi %mul3A_10, %add3A_11 : i32
    %dma_start3A = arith.constant 0 : i32
    %dma_start3A_13 = tpu.memref_slice %arg11[%add3A_12, %dma_start3A] : memref<10240x128xf32, #tpu.memory_space<vmem_shared>> -> memref<128x128xf32, #tpu.memory_space<vmem_shared>>
    %dma_start3A_14 = arith.constant 0 : i32
    %dma_start3A_15 = tpu.memref_slice %arg11[%add3A_12, %dma_start3A_14] : memref<10240x128xf32, #tpu.memory_space<vmem_shared>> -> memref<128x128xf32, #tpu.memory_space<vmem_shared>>
    tpu.enqueue_dma source(%arg9 : memref<128x128xf32, #tpu.memory_space<vmem>>) target(%dma_start3A_15 : memref<128x128xf32, #tpu.memory_space<vmem_shared>>) target_semaphore(%arg12 : memref<!tpu.dma_semaphore, #tpu.memory_space<semaphore_mem>>)
    %add3A_16 = arith.constant 128 : i32
    %add3A_17 = arith.addi %mul3A_10, %add3A_16 : i32
    %dma_start3A_18 = arith.constant 0 : i32
    %dma_start3A_19 = tpu.memref_slice %arg11[%add3A_17, %dma_start3A_18] : memref<10240x128xf32, #tpu.memory_space<vmem_shared>> -> memref<128x128xf32, #tpu.memory_space<vmem_shared>>
    %dma_start3A_20 = arith.constant 0 : i32
    %dma_start3A_21 = tpu.memref_slice %arg11[%add3A_17, %dma_start3A_20] : memref<10240x128xf32, #tpu.memory_space<vmem_shared>> -> memref<128x128xf32, #tpu.memory_space<vmem_shared>>
    tpu.enqueue_dma source(%arg9 : memref<128x128xf32, #tpu.memory_space<vmem>>) target(%dma_start3A_21 : memref<128x128xf32, #tpu.memory_space<vmem_shared>>) target_semaphore(%arg12 : memref<!tpu.dma_semaphore, #tpu.memory_space<semaphore_mem>>)
    %add3A_22 = arith.constant 256 : i32
    %add3A_23 = arith.addi %mul3A_10, %add3A_22 : i32
    %dma_start3A_24 = arith.constant 0 : i32
    %dma_start3A_25 = tpu.memref_slice %arg11[%add3A_23, %dma_start3A_24] : memref<10240x128xf32, #tpu.memory_space<vmem_shared>> -> memref<128x128xf32, #tpu.memory_space<vmem_shared>>
    %dma_start3A_26 = arith.constant 0 : i32
    %dma_start3A_27 = tpu.memref_slice %arg11[%add3A_23, %dma_start3A_26] : memref<10240x128xf32, #tpu.memory_space<vmem_shared>> -> memref<128x128xf32, #tpu.memory_space<vmem_shared>>
    tpu.enqueue_dma source(%arg9 : memref<128x128xf32, #tpu.memory_space<vmem>>) target(%dma_start3A_27 : memref<128x128xf32, #tpu.memory_space<vmem_shared>>) target_semaphore(%arg12 : memref<!tpu.dma_semaphore, #tpu.memory_space<semaphore_mem>>)
    %add3A_28 = arith.constant 384 : i32
    %add3A_29 = arith.addi %mul3A_10, %add3A_28 : i32
    %dma_start3A_30 = arith.constant 0 : i32
    %dma_start3A_31 = tpu.memref_slice %arg11[%add3A_29, %dma_start3A_30] : memref<10240x128xf32, #tpu.memory_space<vmem_shared>> -> memref<128x128xf32, #tpu.memory_space<vmem_shared>>
    %dma_start3A_32 = arith.constant 0 : i32
    %dma_start3A_33 = tpu.memref_slice %arg11[%add3A_29, %dma_start3A_32] : memref<10240x128xf32, #tpu.memory_space<vmem_shared>> -> memref<128x128xf32, #tpu.memory_space<vmem_shared>>
    tpu.enqueue_dma source(%arg9 : memref<128x128xf32, #tpu.memory_space<vmem>>) target(%dma_start3A_33 : memref<128x128xf32, #tpu.memory_space<vmem_shared>>) target_semaphore(%arg12 : memref<!tpu.dma_semaphore, #tpu.memory_space<semaphore_mem>>)
    %add3A_34 = arith.constant 512 : i32
    %add3A_35 = arith.addi %mul3A_10, %add3A_34 : i32
    %dma_start3A_36 = arith.constant 0 : i32
    %dma_start3A_37 = tpu.memref_slice %arg11[%add3A_35, %dma_start3A_36] : memref<10240x128xf32, #tpu.memory_space<vmem_shared>> -> memref<128x128xf32, #tpu.memory_space<vmem_shared>>
    %dma_start3A_38 = arith.constant 0 : i32
    %dma_start3A_39 = tpu.memref_slice %arg11[%add3A_35, %dma_start3A_38] : memref<10240x128xf32, #tpu.memory_space<vmem_shared>> -> memref<128x128xf32, #tpu.memory_space<vmem_shared>>
    tpu.enqueue_dma source(%arg9 : memref<128x128xf32, #tpu.memory_space<vmem>>) target(%dma_start3A_39 : memref<128x128xf32, #tpu.memory_space<vmem_shared>>) target_semaphore(%arg12 : memref<!tpu.dma_semaphore, #tpu.memory_space<semaphore_mem>>)
    %add3A_40 = arith.constant 0 : i32
    %add3A_41 = arith.addi %mul3A_10, %add3A_40 : i32
    %dma_wait3A = arith.constant 0 : i32
    %dma_wait3A_42 = tpu.memref_slice %arg11[%add3A_41, %dma_wait3A] : memref<10240x128xf32, #tpu.memory_space<vmem_shared>> -> memref<128x128xf32, #tpu.memory_space<vmem_shared>>
    %dma_wait3A_43 = arith.constant 0 : i32
    %dma_wait3A_44 = tpu.memref_slice %arg11[%add3A_41, %dma_wait3A_43] : memref<10240x128xf32, #tpu.memory_space<vmem_shared>> -> memref<128x128xf32, #tpu.memory_space<vmem_shared>>
    tpu.wait_dma2 semaphore(%arg12 : memref<!tpu.dma_semaphore, #tpu.memory_space<semaphore_mem>>) src(%arg9 : memref<128x128xf32, #tpu.memory_space<vmem>>) dst(%dma_wait3A_44 : memref<128x128xf32, #tpu.memory_space<vmem_shared>>)
    %add3A_45 = arith.constant 128 : i32
    %add3A_46 = arith.addi %mul3A_10, %add3A_45 : i32
    %dma_wait3A_47 = arith.constant 0 : i32
    %dma_wait3A_48 = tpu.memref_slice %arg11[%add3A_46, %dma_wait3A_47] : memref<10240x128xf32, #tpu.memory_space<vmem_shared>> -> memref<128x128xf32, #tpu.memory_space<vmem_shared>>
    %dma_wait3A_49 = arith.constant 0 : i32
    %dma_wait3A_50 = tpu.memref_slice %arg11[%add3A_46, %dma_wait3A_49] : memref<10240x128xf32, #tpu.memory_space<vmem_shared>> -> memref<128x128xf32, #tpu.memory_space<vmem_shared>>
    tpu.wait_dma2 semaphore(%arg12 : memref<!tpu.dma_semaphore, #tpu.memory_space<semaphore_mem>>) src(%arg9 : memref<128x128xf32, #tpu.memory_space<vmem>>) dst(%dma_wait3A_50 : memref<128x128xf32, #tpu.memory_space<vmem_shared>>)
    %add3A_51 = arith.constant 256 : i32
    %add3A_52 = arith.addi %mul3A_10, %add3A_51 : i32
    %dma_wait3A_53 = arith.constant 0 : i32
    %dma_wait3A_54 = tpu.memref_slice %arg11[%add3A_52, %dma_wait3A_53] : memref<10240x128xf32, #tpu.memory_space<vmem_shared>> -> memref<128x128xf32, #tpu.memory_space<vmem_shared>>
    %dma_wait3A_55 = arith.constant 0 : i32
    %dma_wait3A_56 = tpu.memref_slice %arg11[%add3A_52, %dma_wait3A_55] : memref<10240x128xf32, #tpu.memory_space<vmem_shared>> -> memref<128x128xf32, #tpu.memory_space<vmem_shared>>
    tpu.wait_dma2 semaphore(%arg12 : memref<!tpu.dma_semaphore, #tpu.memory_space<semaphore_mem>>) src(%arg9 : memref<128x128xf32, #tpu.memory_space<vmem>>) dst(%dma_wait3A_56 : memref<128x128xf32, #tpu.memory_space<vmem_shared>>)
    %add3A_57 = arith.constant 384 : i32
    %add3A_58 = arith.addi %mul3A_10, %add3A_57 : i32
    %dma_wait3A_59 = arith.constant 0 : i32
    %dma_wait3A_60 = tpu.memref_slice %arg11[%add3A_58, %dma_wait3A_59] : memref<10240x128xf32, #tpu.memory_space<vmem_shared>> -> memref<128x128xf32, #tpu.memory_space<vmem_shared>>
    %dma_wait3A_61 = arith.constant 0 : i32
    %dma_wait3A_62 = tpu.memref_slice %arg11[%add3A_58, %dma_wait3A_61] : memref<10240x128xf32, #tpu.memory_space<vmem_shared>> -> memref<128x128xf32, #tpu.memory_space<vmem_shared>>
    tpu.wait_dma2 semaphore(%arg12 : memref<!tpu.dma_semaphore, #tpu.memory_space<semaphore_mem>>) src(%arg9 : memref<128x128xf32, #tpu.memory_space<vmem>>) dst(%dma_wait3A_62 : memref<128x128xf32, #tpu.memory_space<vmem_shared>>)
    %add3A_63 = arith.constant 512 : i32
    %add3A_64 = arith.addi %mul3A_10, %add3A_63 : i32
    %dma_wait3A_65 = arith.constant 0 : i32
    %dma_wait3A_66 = tpu.memref_slice %arg11[%add3A_64, %dma_wait3A_65] : memref<10240x128xf32, #tpu.memory_space<vmem_shared>> -> memref<128x128xf32, #tpu.memory_space<vmem_shared>>
    %dma_wait3A_67 = arith.constant 0 : i32
    %dma_wait3A_68 = tpu.memref_slice %arg11[%add3A_64, %dma_wait3A_67] : memref<10240x128xf32, #tpu.memory_space<vmem_shared>> -> memref<128x128xf32, #tpu.memory_space<vmem_shared>>
    tpu.wait_dma2 semaphore(%arg12 : memref<!tpu.dma_semaphore, #tpu.memory_space<semaphore_mem>>) src(%arg9 : memref<128x128xf32, #tpu.memory_space<vmem>>) dst(%dma_wait3A_68 : memref<128x128xf32, #tpu.memory_space<vmem_shared>>)
    %barrier3A = arith.constant 0 : index
    tpu.barrier barrier_id(%barrier3A)
    %add3A_69 = arith.constant 0 : i32
    %add3A_70 = arith.addi %add3A, %add3A_69 : i32
    %mul3A_71 = arith.constant 128 : i32
    %mul3A_72 = arith.muli %add3A_70, %mul3A_71 : i32
    %dma_start3A_73 = tpu.memref_slice %arg3[%mul3A_72] : memref<640000xi32, #tpu.memory_space<hbm>> -> memref<128xi32, #tpu.memory_space<hbm>>
    %dma_start3A_74 = tpu.memref_slice %arg3[%mul3A_72] : memref<640000xi32, #tpu.memory_space<hbm>> -> memref<128xi32, #tpu.memory_space<hbm>>
    tpu.enqueue_dma source(%dma_start3A_74 : memref<128xi32, #tpu.memory_space<hbm>>) target(%arg5 : memref<128xi32, #tpu.memory_space<vmem>>) target_semaphore(%arg18 : memref<!tpu.dma_semaphore, #tpu.memory_space<semaphore_mem>>)
    %add3A_75 = arith.constant 32 : i32
    %add3A_76 = arith.addi %add3A, %add3A_75 : i32
    %mul3A_77 = arith.constant 128 : i32
    %mul3A_78 = arith.muli %add3A_76, %mul3A_77 : i32
    %dma_start3A_79 = tpu.memref_slice %arg3[%mul3A_78] : memref<640000xi32, #tpu.memory_space<hbm>> -> memref<128xi32, #tpu.memory_space<hbm>>
    %dma_start3A_80 = tpu.memref_slice %arg3[%mul3A_78] : memref<640000xi32, #tpu.memory_space<hbm>> -> memref<128xi32, #tpu.memory_space<hbm>>
    tpu.enqueue_dma source(%dma_start3A_80 : memref<128xi32, #tpu.memory_space<hbm>>) target(%arg6 : memref<128xi32, #tpu.memory_space<vmem>>) target_semaphore(%arg19 : memref<!tpu.dma_semaphore, #tpu.memory_space<semaphore_mem>>)
    %add3A_81 = arith.constant 0 : i32
    %add3A_82 = arith.addi %add3A, %add3A_81 : i32
    %mul3A_83 = arith.constant 128 : i32
    %mul3A_84 = arith.muli %add3A_82, %mul3A_83 : i32
    %add3A_85 = arith.constant 320000 : i32
    %add3A_86 = arith.addi %add3A_85, %mul3A_84 : i32
    %dma_start3A_87 = tpu.memref_slice %arg3[%add3A_86] : memref<640000xi32, #tpu.memory_space<hbm>> -> memref<128xi32, #tpu.memory_space<hbm>>
    %dma_start3A_88 = tpu.memref_slice %arg3[%add3A_86] : memref<640000xi32, #tpu.memory_space<hbm>> -> memref<128xi32, #tpu.memory_space<hbm>>
    tpu.enqueue_dma source(%dma_start3A_88 : memref<128xi32, #tpu.memory_space<hbm>>) target(%arg7 : memref<128xi32, #tpu.memory_space<vmem>>) target_semaphore(%arg14 : memref<!tpu.dma_semaphore, #tpu.memory_space<semaphore_mem>>)
    %add3A_89 = arith.constant 0 : i32
    %add3A_90 = arith.addi %add3A, %add3A_89 : i32
    %mul3A_91 = arith.constant 128 : i32
    %mul3A_92 = arith.muli %add3A_90, %mul3A_91 : i32
    %dma_wait3A_93 = tpu.memref_slice %arg3[%mul3A_92] : memref<640000xi32, #tpu.memory_space<hbm>> -> memref<128xi32, #tpu.memory_space<hbm>>
    %dma_wait3A_94 = tpu.memref_slice %arg3[%mul3A_92] : memref<640000xi32, #tpu.memory_space<hbm>> -> memref<128xi32, #tpu.memory_space<hbm>>
    tpu.wait_dma2 semaphore(%arg18 : memref<!tpu.dma_semaphore, #tpu.memory_space<semaphore_mem>>) src(%dma_wait3A_94 : memref<128xi32, #tpu.memory_space<hbm>>) dst(%arg5 : memref<128xi32, #tpu.memory_space<vmem>>)
    %dma_start3A_95 = arith.constant 0 : i32
    %dma_start3A_96 = arith.constant 0 : i32
    %dma_start3A_97 = tpu.memref_slice %arg2[%dma_start3A_95, %dma_start3A_96] : memref<10000x128xf32, #tpu.memory_space<hbm>> -> memref<10000x128xf32, #tpu.memory_space<hbm>>
    tpu.enqueue_indirect_dma source(%dma_start3A_97 : memref<10000x128xf32, #tpu.memory_space<hbm>>) target(%arg9 : memref<128x128xf32, #tpu.memory_space<vmem>>) offsets(%arg5 : memref<128xi32, #tpu.memory_space<vmem>>) semaphore(%arg12 : memref<!tpu.dma_semaphore, #tpu.memory_space<semaphore_mem>>)
    %while3A = arith.constant 0 : i32
    %while3A_98 = arith.constant 0 : i32
    %while3A_99 = arith.subi %select_n3A, %while3A_98 : i32
    %while3A_100 = arith.addi %while3A_98, %while3A_99 : i32
    %while3A_101 = arith.constant 1 : i32
    %while3A_102 = arith.divsi %while3A_99, %while3A_101 : i32
    %while3A_103 = arith.muli %while3A_102, %while3A_101 : i32
    %while3A_104 = arith.addi %while3A_98, %while3A_103 : i32
    %while3A_105 = arith.constant 1 : i32
    scf.for %while3A_121 = %while3A_98 to %while3A_104 step %while3A_105  : i32 {
      %rem3A = arith.constant 2 : i32
      %rem3A_122 = arith.remsi %while3A_121, %rem3A : i32
      %eq3A_123 = arith.constant 0 : i32
      %eq3A_124 = arith.cmpi eq, %rem3A_122, %eq3A_123 : i32
      %convert_element_type3A_125 = arith.extui %eq3A_124 : i1 to i32
      %cond3A_126 = arith.constant 0 : i32
      %cond3A_127 = arith.cmpi ne, %convert_element_type3A_125, %cond3A_126 : i32
      scf.if %cond3A_127 {
        %add3A_135 = arith.constant 1 : i32
        %add3A_136 = arith.addi %while3A_121, %add3A_135 : i32
        %lt3A_137 = arith.cmpi slt, %add3A_136, %select_n3A : i32
        %convert_element_type3A_138 = arith.extui %lt3A_137 : i1 to i32
        %cond3A_139 = arith.constant 0 : i32
        %cond3A_140 = arith.cmpi ne, %convert_element_type3A_138, %cond3A_139 : i32
        scf.if %cond3A_140 {
          %ge3A = arith.constant 1 : i32
          %ge3A_162 = arith.cmpi sge, %while3A_121, %ge3A : i32
          %convert_element_type3A_163 = arith.extui %ge3A_162 : i1 to i32
          %cond3A_164 = arith.constant 0 : i32
          %cond3A_165 = arith.cmpi ne, %convert_element_type3A_163, %cond3A_164 : i32
          scf.if %cond3A_165 {
            %dma_wait3A_189 = arith.constant 0 : i32
            %dma_wait3A_190 = arith.constant 0 : i32
            %dma_wait3A_191 = tpu.memref_slice %arg11[%dma_wait3A_189, %dma_wait3A_190] : memref<10240x128xf32, #tpu.memory_space<vmem_shared>> -> memref<10240x128xf32, #tpu.memory_space<vmem_shared>>
            tpu.wait_indirect_dma semaphore(%arg17 : memref<!tpu.dma_semaphore, #tpu.memory_space<semaphore_mem>>) src(%arg10 : memref<128x128xf32, #tpu.memory_space<vmem>>) dst(%dma_wait3A_191 : memref<10240x128xf32, #tpu.memory_space<vmem_shared>>)
          } else {
          }
          %add3A_166 = arith.constant 1 : i32
          %add3A_167 = arith.addi %while3A_121, %add3A_166 : i32
          %mul3A_168 = arith.constant 32 : i32
          %mul3A_169 = arith.muli %add3A_167, %mul3A_168 : i32
          %add3A_170 = arith.addi %add3A, %mul3A_169 : i32
          %mul3A_171 = arith.constant 128 : i32
          %mul3A_172 = arith.muli %add3A_170, %mul3A_171 : i32
          %dma_wait3A_173 = tpu.memref_slice %arg3[%mul3A_172] : memref<640000xi32, #tpu.memory_space<hbm>> -> memref<128xi32, #tpu.memory_space<hbm>>
          %dma_wait3A_174 = tpu.memref_slice %arg3[%mul3A_172] : memref<640000xi32, #tpu.memory_space<hbm>> -> memref<128xi32, #tpu.memory_space<hbm>>
          tpu.wait_dma2 semaphore(%arg19 : memref<!tpu.dma_semaphore, #tpu.memory_space<semaphore_mem>>) src(%dma_wait3A_174 : memref<128xi32, #tpu.memory_space<hbm>>) dst(%arg6 : memref<128xi32, #tpu.memory_space<vmem>>)
          %add3A_175 = arith.constant 1 : i32
          %add3A_176 = arith.addi %while3A_121, %add3A_175 : i32
          %mul3A_177 = arith.constant 32 : i32
          %mul3A_178 = arith.muli %add3A_176, %mul3A_177 : i32
          %add3A_179 = arith.addi %add3A, %mul3A_178 : i32
          %mul3A_180 = arith.constant 128 : i32
          %mul3A_181 = arith.muli %add3A_179, %mul3A_180 : i32
          %add3A_182 = arith.constant 320000 : i32
          %add3A_183 = arith.addi %add3A_182, %mul3A_181 : i32
          %dma_start3A_184 = tpu.memref_slice %arg3[%add3A_183] : memref<640000xi32, #tpu.memory_space<hbm>> -> memref<128xi32, #tpu.memory_space<hbm>>
          %dma_start3A_185 = tpu.memref_slice %arg3[%add3A_183] : memref<640000xi32, #tpu.memory_space<hbm>> -> memref<128xi32, #tpu.memory_space<hbm>>
          tpu.enqueue_dma source(%dma_start3A_185 : memref<128xi32, #tpu.memory_space<hbm>>) target(%arg8 : memref<128xi32, #tpu.memory_space<vmem>>) target_semaphore(%arg15 : memref<!tpu.dma_semaphore, #tpu.memory_space<semaphore_mem>>)
          %dma_start3A_186 = arith.constant 0 : i32
          %dma_start3A_187 = arith.constant 0 : i32
          %dma_start3A_188 = tpu.memref_slice %arg2[%dma_start3A_186, %dma_start3A_187] : memref<10000x128xf32, #tpu.memory_space<hbm>> -> memref<10000x128xf32, #tpu.memory_space<hbm>>
          tpu.enqueue_indirect_dma source(%dma_start3A_188 : memref<10000x128xf32, #tpu.memory_space<hbm>>) target(%arg10 : memref<128x128xf32, #tpu.memory_space<vmem>>) offsets(%arg6 : memref<128xi32, #tpu.memory_space<vmem>>) semaphore(%arg13 : memref<!tpu.dma_semaphore, #tpu.memory_space<semaphore_mem>>)
        } else {
        }
        %dma_wait3A_141 = arith.constant 0 : i32
        %dma_wait3A_142 = arith.constant 0 : i32
        %dma_wait3A_143 = tpu.memref_slice %arg2[%dma_wait3A_141, %dma_wait3A_142] : memref<10000x128xf32, #tpu.memory_space<hbm>> -> memref<10000x128xf32, #tpu.memory_space<hbm>>
        tpu.wait_indirect_dma semaphore(%arg12 : memref<!tpu.dma_semaphore, #tpu.memory_space<semaphore_mem>>) src(%dma_wait3A_143 : memref<10000x128xf32, #tpu.memory_space<hbm>>) dst(%arg9 : memref<128x128xf32, #tpu.memory_space<vmem>>)
        %add3A_144 = arith.constant 2 : i32
        %add3A_145 = arith.addi %while3A_121, %add3A_144 : i32
        %lt3A_146 = arith.cmpi slt, %add3A_145, %select_n3A : i32
        %convert_element_type3A_147 = arith.extui %lt3A_146 : i1 to i32
        %cond3A_148 = arith.constant 0 : i32
        %cond3A_149 = arith.cmpi ne, %convert_element_type3A_147, %cond3A_148 : i32
        scf.if %cond3A_149 {
          %add3A_162 = arith.constant 2 : i32
          %add3A_163 = arith.addi %while3A_121, %add3A_162 : i32
          %mul3A_164 = arith.constant 32 : i32
          %mul3A_165 = arith.muli %add3A_163, %mul3A_164 : i32
          %add3A_166 = arith.addi %add3A, %mul3A_165 : i32
          %mul3A_167 = arith.constant 128 : i32
          %mul3A_168 = arith.muli %add3A_166, %mul3A_167 : i32
          %dma_start3A_169 = tpu.memref_slice %arg3[%mul3A_168] : memref<640000xi32, #tpu.memory_space<hbm>> -> memref<128xi32, #tpu.memory_space<hbm>>
          %dma_start3A_170 = tpu.memref_slice %arg3[%mul3A_168] : memref<640000xi32, #tpu.memory_space<hbm>> -> memref<128xi32, #tpu.memory_space<hbm>>
          tpu.enqueue_dma source(%dma_start3A_170 : memref<128xi32, #tpu.memory_space<hbm>>) target(%arg5 : memref<128xi32, #tpu.memory_space<vmem>>) target_semaphore(%arg18 : memref<!tpu.dma_semaphore, #tpu.memory_space<semaphore_mem>>)
        } else {
        }
        %mul3A_150 = arith.constant 32 : i32
        %mul3A_151 = arith.muli %while3A_121, %mul3A_150 : i32
        %add3A_152 = arith.addi %add3A, %mul3A_151 : i32
        %mul3A_153 = arith.constant 128 : i32
        %mul3A_154 = arith.muli %add3A_152, %mul3A_153 : i32
        %add3A_155 = arith.constant 320000 : i32
        %add3A_156 = arith.addi %add3A_155, %mul3A_154 : i32
        %dma_wait3A_157 = tpu.memref_slice %arg3[%add3A_156] : memref<640000xi32, #tpu.memory_space<hbm>> -> memref<128xi32, #tpu.memory_space<hbm>>
        %dma_wait3A_158 = tpu.memref_slice %arg3[%add3A_156] : memref<640000xi32, #tpu.memory_space<hbm>> -> memref<128xi32, #tpu.memory_space<hbm>>
        tpu.wait_dma2 semaphore(%arg14 : memref<!tpu.dma_semaphore, #tpu.memory_space<semaphore_mem>>) src(%dma_wait3A_158 : memref<128xi32, #tpu.memory_space<hbm>>) dst(%arg7 : memref<128xi32, #tpu.memory_space<vmem>>)
        %dma_start3A_159 = arith.constant 0 : i32
        %dma_start3A_160 = arith.constant 0 : i32
        %dma_start3A_161 = tpu.memref_slice %arg11[%dma_start3A_159, %dma_start3A_160] : memref<10240x128xf32, #tpu.memory_space<vmem_shared>> -> memref<10240x128xf32, #tpu.memory_space<vmem_shared>>
        tpu.enqueue_indirect_dma source(%arg9 : memref<128x128xf32, #tpu.memory_space<vmem>>) target(%dma_start3A_161 : memref<10240x128xf32, #tpu.memory_space<vmem_shared>>) offsets(%arg7 : memref<128xi32, #tpu.memory_space<vmem>>) semaphore(%arg16 : memref<!tpu.dma_semaphore, #tpu.memory_space<semaphore_mem>>) {add = true}
      } else {
      }
      %rem3A_128 = arith.constant 2 : i32
      %rem3A_129 = arith.remsi %while3A_121, %rem3A_128 : i32
      %eq3A_130 = arith.constant 1 : i32
      %eq3A_131 = arith.cmpi eq, %rem3A_129, %eq3A_130 : i32
      %convert_element_type3A_132 = arith.extui %eq3A_131 : i1 to i32
      %cond3A_133 = arith.constant 0 : i32
      %cond3A_134 = arith.cmpi ne, %convert_element_type3A_132, %cond3A_133 : i32
      scf.if %cond3A_134 {
        %add3A_135 = arith.constant 1 : i32
        %add3A_136 = arith.addi %while3A_121, %add3A_135 : i32
        %lt3A_137 = arith.cmpi slt, %add3A_136, %select_n3A : i32
        %convert_element_type3A_138 = arith.extui %lt3A_137 : i1 to i32
        %cond3A_139 = arith.constant 0 : i32
        %cond3A_140 = arith.cmpi ne, %convert_element_type3A_138, %cond3A_139 : i32
        scf.if %cond3A_140 {
          %ge3A = arith.constant 1 : i32
          %ge3A_162 = arith.cmpi sge, %while3A_121, %ge3A : i32
          %convert_element_type3A_163 = arith.extui %ge3A_162 : i1 to i32
          %cond3A_164 = arith.constant 0 : i32
          %cond3A_165 = arith.cmpi ne, %convert_element_type3A_163, %cond3A_164 : i32
          scf.if %cond3A_165 {
            %dma_wait3A_189 = arith.constant 0 : i32
            %dma_wait3A_190 = arith.constant 0 : i32
            %dma_wait3A_191 = tpu.memref_slice %arg11[%dma_wait3A_189, %dma_wait3A_190] : memref<10240x128xf32, #tpu.memory_space<vmem_shared>> -> memref<10240x128xf32, #tpu.memory_space<vmem_shared>>
            tpu.wait_indirect_dma semaphore(%arg16 : memref<!tpu.dma_semaphore, #tpu.memory_space<semaphore_mem>>) src(%arg9 : memref<128x128xf32, #tpu.memory_space<vmem>>) dst(%dma_wait3A_191 : memref<10240x128xf32, #tpu.memory_space<vmem_shared>>)
          } else {
          }
          %add3A_166 = arith.constant 1 : i32
          %add3A_167 = arith.addi %while3A_121, %add3A_166 : i32
          %mul3A_168 = arith.constant 32 : i32
          %mul3A_169 = arith.muli %add3A_167, %mul3A_168 : i32
          %add3A_170 = arith.addi %add3A, %mul3A_169 : i32
          %mul3A_171 = arith.constant 128 : i32
          %mul3A_172 = arith.muli %add3A_170, %mul3A_171 : i32
          %dma_wait3A_173 = tpu.memref_slice %arg3[%mul3A_172] : memref<640000xi32, #tpu.memory_space<hbm>> -> memref<128xi32, #tpu.memory_space<hbm>>
          %dma_wait3A_174 = tpu.memref_slice %arg3[%mul3A_172] : memref<640000xi32, #tpu.memory_space<hbm>> -> memref<128xi32, #tpu.memory_space<hbm>>
          tpu.wait_dma2 semaphore(%arg18 : memref<!tpu.dma_semaphore, #tpu.memory_space<semaphore_mem>>) src(%dma_wait3A_174 : memref<128xi32, #tpu.memory_space<hbm>>) dst(%arg5 : memref<128xi32, #tpu.memory_space<vmem>>)
          %add3A_175 = arith.constant 1 : i32
          %add3A_176 = arith.addi %while3A_121, %add3A_175 : i32
          %mul3A_177 = arith.constant 32 : i32
          %mul3A_178 = arith.muli %add3A_176, %mul3A_177 : i32
          %add3A_179 = arith.addi %add3A, %mul3A_178 : i32
          %mul3A_180 = arith.constant 128 : i32
          %mul3A_181 = arith.muli %add3A_179, %mul3A_180 : i32
          %add3A_182 = arith.constant 320000 : i32
          %add3A_183 = arith.addi %add3A_182, %mul3A_181 : i32
          %dma_start3A_184 = tpu.memref_slice %arg3[%add3A_183] : memref<640000xi32, #tpu.memory_space<hbm>> -> memref<128xi32, #tpu.memory_space<hbm>>
          %dma_start3A_185 = tpu.memref_slice %arg3[%add3A_183] : memref<640000xi32, #tpu.memory_space<hbm>> -> memref<128xi32, #tpu.memory_space<hbm>>
          tpu.enqueue_dma source(%dma_start3A_185 : memref<128xi32, #tpu.memory_space<hbm>>) target(%arg7 : memref<128xi32, #tpu.memory_space<vmem>>) target_semaphore(%arg14 : memref<!tpu.dma_semaphore, #tpu.memory_space<semaphore_mem>>)
          %dma_start3A_186 = arith.constant 0 : i32
          %dma_start3A_187 = arith.constant 0 : i32
          %dma_start3A_188 = tpu.memref_slice %arg2[%dma_start3A_186, %dma_start3A_187] : memref<10000x128xf32, #tpu.memory_space<hbm>> -> memref<10000x128xf32, #tpu.memory_space<hbm>>
          tpu.enqueue_indirect_dma source(%dma_start3A_188 : memref<10000x128xf32, #tpu.memory_space<hbm>>) target(%arg9 : memref<128x128xf32, #tpu.memory_space<vmem>>) offsets(%arg5 : memref<128xi32, #tpu.memory_space<vmem>>) semaphore(%arg12 : memref<!tpu.dma_semaphore, #tpu.memory_space<semaphore_mem>>)
        } else {
        }
        %dma_wait3A_141 = arith.constant 0 : i32
        %dma_wait3A_142 = arith.constant 0 : i32
        %dma_wait3A_143 = tpu.memref_slice %arg2[%dma_wait3A_141, %dma_wait3A_142] : memref<10000x128xf32, #tpu.memory_space<hbm>> -> memref<10000x128xf32, #tpu.memory_space<hbm>>
        tpu.wait_indirect_dma semaphore(%arg13 : memref<!tpu.dma_semaphore, #tpu.memory_space<semaphore_mem>>) src(%dma_wait3A_143 : memref<10000x128xf32, #tpu.memory_space<hbm>>) dst(%arg10 : memref<128x128xf32, #tpu.memory_space<vmem>>)
        %add3A_144 = arith.constant 2 : i32
        %add3A_145 = arith.addi %while3A_121, %add3A_144 : i32
        %lt3A_146 = arith.cmpi slt, %add3A_145, %select_n3A : i32
        %convert_element_type3A_147 = arith.extui %lt3A_146 : i1 to i32
        %cond3A_148 = arith.constant 0 : i32
        %cond3A_149 = arith.cmpi ne, %convert_element_type3A_147, %cond3A_148 : i32
        scf.if %cond3A_149 {
          %add3A_162 = arith.constant 2 : i32
          %add3A_163 = arith.addi %while3A_121, %add3A_162 : i32
          %mul3A_164 = arith.constant 32 : i32
          %mul3A_165 = arith.muli %add3A_163, %mul3A_164 : i32
          %add3A_166 = arith.addi %add3A, %mul3A_165 : i32
          %mul3A_167 = arith.constant 128 : i32
          %mul3A_168 = arith.muli %add3A_166, %mul3A_167 : i32
          %dma_start3A_169 = tpu.memref_slice %arg3[%mul3A_168] : memref<640000xi32, #tpu.memory_space<hbm>> -> memref<128xi32, #tpu.memory_space<hbm>>
          %dma_start3A_170 = tpu.memref_slice %arg3[%mul3A_168] : memref<640000xi32, #tpu.memory_space<hbm>> -> memref<128xi32, #tpu.memory_space<hbm>>
          tpu.enqueue_dma source(%dma_start3A_170 : memref<128xi32, #tpu.memory_space<hbm>>) target(%arg6 : memref<128xi32, #tpu.memory_space<vmem>>) target_semaphore(%arg19 : memref<!tpu.dma_semaphore, #tpu.memory_space<semaphore_mem>>)
        } else {
        }
        %mul3A_150 = arith.constant 32 : i32
        %mul3A_151 = arith.muli %while3A_121, %mul3A_150 : i32
        %add3A_152 = arith.addi %add3A, %mul3A_151 : i32
        %mul3A_153 = arith.constant 128 : i32
        %mul3A_154 = arith.muli %add3A_152, %mul3A_153 : i32
        %add3A_155 = arith.constant 320000 : i32
        %add3A_156 = arith.addi %add3A_155, %mul3A_154 : i32
        %dma_wait3A_157 = tpu.memref_slice %arg3[%add3A_156] : memref<640000xi32, #tpu.memory_space<hbm>> -> memref<128xi32, #tpu.memory_space<hbm>>
        %dma_wait3A_158 = tpu.memref_slice %arg3[%add3A_156] : memref<640000xi32, #tpu.memory_space<hbm>> -> memref<128xi32, #tpu.memory_space<hbm>>
        tpu.wait_dma2 semaphore(%arg15 : memref<!tpu.dma_semaphore, #tpu.memory_space<semaphore_mem>>) src(%dma_wait3A_158 : memref<128xi32, #tpu.memory_space<hbm>>) dst(%arg8 : memref<128xi32, #tpu.memory_space<vmem>>)
        %dma_start3A_159 = arith.constant 0 : i32
        %dma_start3A_160 = arith.constant 0 : i32
        %dma_start3A_161 = tpu.memref_slice %arg11[%dma_start3A_159, %dma_start3A_160] : memref<10240x128xf32, #tpu.memory_space<vmem_shared>> -> memref<10240x128xf32, #tpu.memory_space<vmem_shared>>
        tpu.enqueue_indirect_dma source(%arg10 : memref<128x128xf32, #tpu.memory_space<vmem>>) target(%dma_start3A_161 : memref<10240x128xf32, #tpu.memory_space<vmem_shared>>) offsets(%arg8 : memref<128xi32, #tpu.memory_space<vmem>>) semaphore(%arg17 : memref<!tpu.dma_semaphore, #tpu.memory_space<semaphore_mem>>) {add = true}
      } else {
      }
    }
    %while3A_106 = arith.constant 1 : i32
    scf.for %while3A_121 = %while3A_104 to %while3A_100 step %while3A_106  : i32 {
      %rem3A = arith.constant 2 : i32
      %rem3A_122 = arith.remsi %while3A_121, %rem3A : i32
      %eq3A_123 = arith.constant 0 : i32
      %eq3A_124 = arith.cmpi eq, %rem3A_122, %eq3A_123 : i32
      %convert_element_type3A_125 = arith.extui %eq3A_124 : i1 to i32
      %cond3A_126 = arith.constant 0 : i32
      %cond3A_127 = arith.cmpi ne, %convert_element_type3A_125, %cond3A_126 : i32
      scf.if %cond3A_127 {
        %add3A_135 = arith.constant 1 : i32
        %add3A_136 = arith.addi %while3A_121, %add3A_135 : i32
        %lt3A_137 = arith.cmpi slt, %add3A_136, %select_n3A : i32
        %convert_element_type3A_138 = arith.extui %lt3A_137 : i1 to i32
        %cond3A_139 = arith.constant 0 : i32
        %cond3A_140 = arith.cmpi ne, %convert_element_type3A_138, %cond3A_139 : i32
        scf.if %cond3A_140 {
          %ge3A = arith.constant 1 : i32
          %ge3A_162 = arith.cmpi sge, %while3A_121, %ge3A : i32
          %convert_element_type3A_163 = arith.extui %ge3A_162 : i1 to i32
          %cond3A_164 = arith.constant 0 : i32
          %cond3A_165 = arith.cmpi ne, %convert_element_type3A_163, %cond3A_164 : i32
          scf.if %cond3A_165 {
            %dma_wait3A_189 = arith.constant 0 : i32
            %dma_wait3A_190 = arith.constant 0 : i32
            %dma_wait3A_191 = tpu.memref_slice %arg11[%dma_wait3A_189, %dma_wait3A_190] : memref<10240x128xf32, #tpu.memory_space<vmem_shared>> -> memref<10240x128xf32, #tpu.memory_space<vmem_shared>>
            tpu.wait_indirect_dma semaphore(%arg17 : memref<!tpu.dma_semaphore, #tpu.memory_space<semaphore_mem>>) src(%arg10 : memref<128x128xf32, #tpu.memory_space<vmem>>) dst(%dma_wait3A_191 : memref<10240x128xf32, #tpu.memory_space<vmem_shared>>)
          } else {
          }
          %add3A_166 = arith.constant 1 : i32
          %add3A_167 = arith.addi %while3A_121, %add3A_166 : i32
          %mul3A_168 = arith.constant 32 : i32
          %mul3A_169 = arith.muli %add3A_167, %mul3A_168 : i32
          %add3A_170 = arith.addi %add3A, %mul3A_169 : i32
          %mul3A_171 = arith.constant 128 : i32
          %mul3A_172 = arith.muli %add3A_170, %mul3A_171 : i32
          %dma_wait3A_173 = tpu.memref_slice %arg3[%mul3A_172] : memref<640000xi32, #tpu.memory_space<hbm>> -> memref<128xi32, #tpu.memory_space<hbm>>
          %dma_wait3A_174 = tpu.memref_slice %arg3[%mul3A_172] : memref<640000xi32, #tpu.memory_space<hbm>> -> memref<128xi32, #tpu.memory_space<hbm>>
          tpu.wait_dma2 semaphore(%arg19 : memref<!tpu.dma_semaphore, #tpu.memory_space<semaphore_mem>>) src(%dma_wait3A_174 : memref<128xi32, #tpu.memory_space<hbm>>) dst(%arg6 : memref<128xi32, #tpu.memory_space<vmem>>)
          %add3A_175 = arith.constant 1 : i32
          %add3A_176 = arith.addi %while3A_121, %add3A_175 : i32
          %mul3A_177 = arith.constant 32 : i32
          %mul3A_178 = arith.muli %add3A_176, %mul3A_177 : i32
          %add3A_179 = arith.addi %add3A, %mul3A_178 : i32
          %mul3A_180 = arith.constant 128 : i32
          %mul3A_181 = arith.muli %add3A_179, %mul3A_180 : i32
          %add3A_182 = arith.constant 320000 : i32
          %add3A_183 = arith.addi %add3A_182, %mul3A_181 : i32
          %dma_start3A_184 = tpu.memref_slice %arg3[%add3A_183] : memref<640000xi32, #tpu.memory_space<hbm>> -> memref<128xi32, #tpu.memory_space<hbm>>
          %dma_start3A_185 = tpu.memref_slice %arg3[%add3A_183] : memref<640000xi32, #tpu.memory_space<hbm>> -> memref<128xi32, #tpu.memory_space<hbm>>
          tpu.enqueue_dma source(%dma_start3A_185 : memref<128xi32, #tpu.memory_space<hbm>>) target(%arg8 : memref<128xi32, #tpu.memory_space<vmem>>) target_semaphore(%arg15 : memref<!tpu.dma_semaphore, #tpu.memory_space<semaphore_mem>>)
          %dma_start3A_186 = arith.constant 0 : i32
          %dma_start3A_187 = arith.constant 0 : i32
          %dma_start3A_188 = tpu.memref_slice %arg2[%dma_start3A_186, %dma_start3A_187] : memref<10000x128xf32, #tpu.memory_space<hbm>> -> memref<10000x128xf32, #tpu.memory_space<hbm>>
          tpu.enqueue_indirect_dma source(%dma_start3A_188 : memref<10000x128xf32, #tpu.memory_space<hbm>>) target(%arg10 : memref<128x128xf32, #tpu.memory_space<vmem>>) offsets(%arg6 : memref<128xi32, #tpu.memory_space<vmem>>) semaphore(%arg13 : memref<!tpu.dma_semaphore, #tpu.memory_space<semaphore_mem>>)
        } else {
        }
        %dma_wait3A_141 = arith.constant 0 : i32
        %dma_wait3A_142 = arith.constant 0 : i32
        %dma_wait3A_143 = tpu.memref_slice %arg2[%dma_wait3A_141, %dma_wait3A_142] : memref<10000x128xf32, #tpu.memory_space<hbm>> -> memref<10000x128xf32, #tpu.memory_space<hbm>>
        tpu.wait_indirect_dma semaphore(%arg12 : memref<!tpu.dma_semaphore, #tpu.memory_space<semaphore_mem>>) src(%dma_wait3A_143 : memref<10000x128xf32, #tpu.memory_space<hbm>>) dst(%arg9 : memref<128x128xf32, #tpu.memory_space<vmem>>)
        %add3A_144 = arith.constant 2 : i32
        %add3A_145 = arith.addi %while3A_121, %add3A_144 : i32
        %lt3A_146 = arith.cmpi slt, %add3A_145, %select_n3A : i32
        %convert_element_type3A_147 = arith.extui %lt3A_146 : i1 to i32
        %cond3A_148 = arith.constant 0 : i32
        %cond3A_149 = arith.cmpi ne, %convert_element_type3A_147, %cond3A_148 : i32
        scf.if %cond3A_149 {
          %add3A_162 = arith.constant 2 : i32
          %add3A_163 = arith.addi %while3A_121, %add3A_162 : i32
          %mul3A_164 = arith.constant 32 : i32
          %mul3A_165 = arith.muli %add3A_163, %mul3A_164 : i32
          %add3A_166 = arith.addi %add3A, %mul3A_165 : i32
          %mul3A_167 = arith.constant 128 : i32
          %mul3A_168 = arith.muli %add3A_166, %mul3A_167 : i32
          %dma_start3A_169 = tpu.memref_slice %arg3[%mul3A_168] : memref<640000xi32, #tpu.memory_space<hbm>> -> memref<128xi32, #tpu.memory_space<hbm>>
          %dma_start3A_170 = tpu.memref_slice %arg3[%mul3A_168] : memref<640000xi32, #tpu.memory_space<hbm>> -> memref<128xi32, #tpu.memory_space<hbm>>
          tpu.enqueue_dma source(%dma_start3A_170 : memref<128xi32, #tpu.memory_space<hbm>>) target(%arg5 : memref<128xi32, #tpu.memory_space<vmem>>) target_semaphore(%arg18 : memref<!tpu.dma_semaphore, #tpu.memory_space<semaphore_mem>>)
        } else {
        }
        %mul3A_150 = arith.constant 32 : i32
        %mul3A_151 = arith.muli %while3A_121, %mul3A_150 : i32
        %add3A_152 = arith.addi %add3A, %mul3A_151 : i32
        %mul3A_153 = arith.constant 128 : i32
        %mul3A_154 = arith.muli %add3A_152, %mul3A_153 : i32
        %add3A_155 = arith.constant 320000 : i32
        %add3A_156 = arith.addi %add3A_155, %mul3A_154 : i32
        %dma_wait3A_157 = tpu.memref_slice %arg3[%add3A_156] : memref<640000xi32, #tpu.memory_space<hbm>> -> memref<128xi32, #tpu.memory_space<hbm>>
        %dma_wait3A_158 = tpu.memref_slice %arg3[%add3A_156] : memref<640000xi32, #tpu.memory_space<hbm>> -> memref<128xi32, #tpu.memory_space<hbm>>
        tpu.wait_dma2 semaphore(%arg14 : memref<!tpu.dma_semaphore, #tpu.memory_space<semaphore_mem>>) src(%dma_wait3A_158 : memref<128xi32, #tpu.memory_space<hbm>>) dst(%arg7 : memref<128xi32, #tpu.memory_space<vmem>>)
        %dma_start3A_159 = arith.constant 0 : i32
        %dma_start3A_160 = arith.constant 0 : i32
        %dma_start3A_161 = tpu.memref_slice %arg11[%dma_start3A_159, %dma_start3A_160] : memref<10240x128xf32, #tpu.memory_space<vmem_shared>> -> memref<10240x128xf32, #tpu.memory_space<vmem_shared>>
        tpu.enqueue_indirect_dma source(%arg9 : memref<128x128xf32, #tpu.memory_space<vmem>>) target(%dma_start3A_161 : memref<10240x128xf32, #tpu.memory_space<vmem_shared>>) offsets(%arg7 : memref<128xi32, #tpu.memory_space<vmem>>) semaphore(%arg16 : memref<!tpu.dma_semaphore, #tpu.memory_space<semaphore_mem>>) {add = true}
      } else {
      }
      %rem3A_128 = arith.constant 2 : i32
      %rem3A_129 = arith.remsi %while3A_121, %rem3A_128 : i32
      %eq3A_130 = arith.constant 1 : i32
      %eq3A_131 = arith.cmpi eq, %rem3A_129, %eq3A_130 : i32
      %convert_element_type3A_132 = arith.extui %eq3A_131 : i1 to i32
      %cond3A_133 = arith.constant 0 : i32
      %cond3A_134 = arith.cmpi ne, %convert_element_type3A_132, %cond3A_133 : i32
      scf.if %cond3A_134 {
        %add3A_135 = arith.constant 1 : i32
        %add3A_136 = arith.addi %while3A_121, %add3A_135 : i32
        %lt3A_137 = arith.cmpi slt, %add3A_136, %select_n3A : i32
        %convert_element_type3A_138 = arith.extui %lt3A_137 : i1 to i32
        %cond3A_139 = arith.constant 0 : i32
        %cond3A_140 = arith.cmpi ne, %convert_element_type3A_138, %cond3A_139 : i32
        scf.if %cond3A_140 {
          %ge3A = arith.constant 1 : i32
          %ge3A_162 = arith.cmpi sge, %while3A_121, %ge3A : i32
          %convert_element_type3A_163 = arith.extui %ge3A_162 : i1 to i32
          %cond3A_164 = arith.constant 0 : i32
          %cond3A_165 = arith.cmpi ne, %convert_element_type3A_163, %cond3A_164 : i32
          scf.if %cond3A_165 {
            %dma_wait3A_189 = arith.constant 0 : i32
            %dma_wait3A_190 = arith.constant 0 : i32
            %dma_wait3A_191 = tpu.memref_slice %arg11[%dma_wait3A_189, %dma_wait3A_190] : memref<10240x128xf32, #tpu.memory_space<vmem_shared>> -> memref<10240x128xf32, #tpu.memory_space<vmem_shared>>
            tpu.wait_indirect_dma semaphore(%arg16 : memref<!tpu.dma_semaphore, #tpu.memory_space<semaphore_mem>>) src(%arg9 : memref<128x128xf32, #tpu.memory_space<vmem>>) dst(%dma_wait3A_191 : memref<10240x128xf32, #tpu.memory_space<vmem_shared>>)
          } else {
          }
          %add3A_166 = arith.constant 1 : i32
          %add3A_167 = arith.addi %while3A_121, %add3A_166 : i32
          %mul3A_168 = arith.constant 32 : i32
          %mul3A_169 = arith.muli %add3A_167, %mul3A_168 : i32
          %add3A_170 = arith.addi %add3A, %mul3A_169 : i32
          %mul3A_171 = arith.constant 128 : i32
          %mul3A_172 = arith.muli %add3A_170, %mul3A_171 : i32
          %dma_wait3A_173 = tpu.memref_slice %arg3[%mul3A_172] : memref<640000xi32, #tpu.memory_space<hbm>> -> memref<128xi32, #tpu.memory_space<hbm>>
          %dma_wait3A_174 = tpu.memref_slice %arg3[%mul3A_172] : memref<640000xi32, #tpu.memory_space<hbm>> -> memref<128xi32, #tpu.memory_space<hbm>>
          tpu.wait_dma2 semaphore(%arg18 : memref<!tpu.dma_semaphore, #tpu.memory_space<semaphore_mem>>) src(%dma_wait3A_174 : memref<128xi32, #tpu.memory_space<hbm>>) dst(%arg5 : memref<128xi32, #tpu.memory_space<vmem>>)
          %add3A_175 = arith.constant 1 : i32
          %add3A_176 = arith.addi %while3A_121, %add3A_175 : i32
          %mul3A_177 = arith.constant 32 : i32
          %mul3A_178 = arith.muli %add3A_176, %mul3A_177 : i32
          %add3A_179 = arith.addi %add3A, %mul3A_178 : i32
          %mul3A_180 = arith.constant 128 : i32
          %mul3A_181 = arith.muli %add3A_179, %mul3A_180 : i32
          %add3A_182 = arith.constant 320000 : i32
          %add3A_183 = arith.addi %add3A_182, %mul3A_181 : i32
          %dma_start3A_184 = tpu.memref_slice %arg3[%add3A_183] : memref<640000xi32, #tpu.memory_space<hbm>> -> memref<128xi32, #tpu.memory_space<hbm>>
          %dma_start3A_185 = tpu.memref_slice %arg3[%add3A_183] : memref<640000xi32, #tpu.memory_space<hbm>> -> memref<128xi32, #tpu.memory_space<hbm>>
          tpu.enqueue_dma source(%dma_start3A_185 : memref<128xi32, #tpu.memory_space<hbm>>) target(%arg7 : memref<128xi32, #tpu.memory_space<vmem>>) target_semaphore(%arg14 : memref<!tpu.dma_semaphore, #tpu.memory_space<semaphore_mem>>)
          %dma_start3A_186 = arith.constant 0 : i32
          %dma_start3A_187 = arith.constant 0 : i32
          %dma_start3A_188 = tpu.memref_slice %arg2[%dma_start3A_186, %dma_start3A_187] : memref<10000x128xf32, #tpu.memory_space<hbm>> -> memref<10000x128xf32, #tpu.memory_space<hbm>>
          tpu.enqueue_indirect_dma source(%dma_start3A_188 : memref<10000x128xf32, #tpu.memory_space<hbm>>) target(%arg9 : memref<128x128xf32, #tpu.memory_space<vmem>>) offsets(%arg5 : memref<128xi32, #tpu.memory_space<vmem>>) semaphore(%arg12 : memref<!tpu.dma_semaphore, #tpu.memory_space<semaphore_mem>>)
        } else {
        }
        %dma_wait3A_141 = arith.constant 0 : i32
        %dma_wait3A_142 = arith.constant 0 : i32
        %dma_wait3A_143 = tpu.memref_slice %arg2[%dma_wait3A_141, %dma_wait3A_142] : memref<10000x128xf32, #tpu.memory_space<hbm>> -> memref<10000x128xf32, #tpu.memory_space<hbm>>
        tpu.wait_indirect_dma semaphore(%arg13 : memref<!tpu.dma_semaphore, #tpu.memory_space<semaphore_mem>>) src(%dma_wait3A_143 : memref<10000x128xf32, #tpu.memory_space<hbm>>) dst(%arg10 : memref<128x128xf32, #tpu.memory_space<vmem>>)
        %add3A_144 = arith.constant 2 : i32
        %add3A_145 = arith.addi %while3A_121, %add3A_144 : i32
        %lt3A_146 = arith.cmpi slt, %add3A_145, %select_n3A : i32
        %convert_element_type3A_147 = arith.extui %lt3A_146 : i1 to i32
        %cond3A_148 = arith.constant 0 : i32
        %cond3A_149 = arith.cmpi ne, %convert_element_type3A_147, %cond3A_148 : i32
        scf.if %cond3A_149 {
          %add3A_162 = arith.constant 2 : i32
          %add3A_163 = arith.addi %while3A_121, %add3A_162 : i32
          %mul3A_164 = arith.constant 32 : i32
          %mul3A_165 = arith.muli %add3A_163, %mul3A_164 : i32
          %add3A_166 = arith.addi %add3A, %mul3A_165 : i32
          %mul3A_167 = arith.constant 128 : i32
          %mul3A_168 = arith.muli %add3A_166, %mul3A_167 : i32
          %dma_start3A_169 = tpu.memref_slice %arg3[%mul3A_168] : memref<640000xi32, #tpu.memory_space<hbm>> -> memref<128xi32, #tpu.memory_space<hbm>>
          %dma_start3A_170 = tpu.memref_slice %arg3[%mul3A_168] : memref<640000xi32, #tpu.memory_space<hbm>> -> memref<128xi32, #tpu.memory_space<hbm>>
          tpu.enqueue_dma source(%dma_start3A_170 : memref<128xi32, #tpu.memory_space<hbm>>) target(%arg6 : memref<128xi32, #tpu.memory_space<vmem>>) target_semaphore(%arg19 : memref<!tpu.dma_semaphore, #tpu.memory_space<semaphore_mem>>)
        } else {
        }
        %mul3A_150 = arith.constant 32 : i32
        %mul3A_151 = arith.muli %while3A_121, %mul3A_150 : i32
        %add3A_152 = arith.addi %add3A, %mul3A_151 : i32
        %mul3A_153 = arith.constant 128 : i32
        %mul3A_154 = arith.muli %add3A_152, %mul3A_153 : i32
        %add3A_155 = arith.constant 320000 : i32
        %add3A_156 = arith.addi %add3A_155, %mul3A_154 : i32
        %dma_wait3A_157 = tpu.memref_slice %arg3[%add3A_156] : memref<640000xi32, #tpu.memory_space<hbm>> -> memref<128xi32, #tpu.memory_space<hbm>>
        %dma_wait3A_158 = tpu.memref_slice %arg3[%add3A_156] : memref<640000xi32, #tpu.memory_space<hbm>> -> memref<128xi32, #tpu.memory_space<hbm>>
        tpu.wait_dma2 semaphore(%arg15 : memref<!tpu.dma_semaphore, #tpu.memory_space<semaphore_mem>>) src(%dma_wait3A_158 : memref<128xi32, #tpu.memory_space<hbm>>) dst(%arg8 : memref<128xi32, #tpu.memory_space<vmem>>)
        %dma_start3A_159 = arith.constant 0 : i32
        %dma_start3A_160 = arith.constant 0 : i32
        %dma_start3A_161 = tpu.memref_slice %arg11[%dma_start3A_159, %dma_start3A_160] : memref<10240x128xf32, #tpu.memory_space<vmem_shared>> -> memref<10240x128xf32, #tpu.memory_space<vmem_shared>>
        tpu.enqueue_indirect_dma source(%arg10 : memref<128x128xf32, #tpu.memory_space<vmem>>) target(%dma_start3A_161 : memref<10240x128xf32, #tpu.memory_space<vmem_shared>>) offsets(%arg8 : memref<128xi32, #tpu.memory_space<vmem>>) semaphore(%arg17 : memref<!tpu.dma_semaphore, #tpu.memory_space<semaphore_mem>>) {add = true}
      } else {
      }
    }
    %dma_wait3A_107 = arith.constant 0 : i32
    %dma_wait3A_108 = arith.constant 0 : i32
    %dma_wait3A_109 = tpu.memref_slice %arg11[%dma_wait3A_107, %dma_wait3A_108] : memref<10240x128xf32, #tpu.memory_space<vmem_shared>> -> memref<10240x128xf32, #tpu.memory_space<vmem_shared>>
    tpu.wait_indirect_dma semaphore(%arg16 : memref<!tpu.dma_semaphore, #tpu.memory_space<semaphore_mem>>) src(%arg9 : memref<128x128xf32, #tpu.memory_space<vmem>>) dst(%dma_wait3A_109 : memref<10240x128xf32, #tpu.memory_space<vmem_shared>>)
    %dma_wait3A_110 = arith.constant 0 : i32
    %dma_wait3A_111 = arith.constant 0 : i32
    %dma_wait3A_112 = tpu.memref_slice %arg11[%dma_wait3A_110, %dma_wait3A_111] : memref<10240x128xf32, #tpu.memory_space<vmem_shared>> -> memref<10240x128xf32, #tpu.memory_space<vmem_shared>>
    tpu.wait_indirect_dma semaphore(%arg17 : memref<!tpu.dma_semaphore, #tpu.memory_space<semaphore_mem>>) src(%arg10 : memref<128x128xf32, #tpu.memory_space<vmem>>) dst(%dma_wait3A_112 : memref<10240x128xf32, #tpu.memory_space<vmem_shared>>)
    %barrier3A_113 = arith.constant 0 : index
    tpu.barrier barrier_id(%barrier3A_113)
    %lt3A_114 = arith.constant 15 : i32
    %lt3A_115 = arith.cmpi slt, %arg1, %lt3A_114 : i32
    %convert_element_type3A = arith.extui %lt3A_115 : i1 to i32
    %cond3A = arith.constant 0 : i32
    %cond3A_116 = arith.cmpi ne, %convert_element_type3A, %cond3A : i32
    scf.if %cond3A_116 {
      "tpu.region"() ({
        %run_scoped3A = tpu.sem_alloc : memref<!tpu.dma_semaphore, #tpu.memory_space<semaphore_mem>>
        %dma_start3A_121 = arith.constant 0 : i32
        %dma_start3A_122 = tpu.memref_slice %arg4[%arg0, %mul3A_10, %dma_start3A_121] : memref<2x10000x128xf32, #tpu.memory_space<hbm>> -> memref<1x640x128xf32, #tpu.memory_space<hbm>>
        %dma_start3A_123 = tpu.memref_squeeze %dma_start3A_122 : memref<1x640x128xf32, #tpu.memory_space<hbm>> -> memref<640x128xf32, #tpu.memory_space<hbm>>
        %dma_start3A_124 = arith.constant 0 : i32
        %dma_start3A_125 = tpu.memref_slice %arg11[%mul3A_10, %dma_start3A_124] : memref<10240x128xf32, #tpu.memory_space<vmem_shared>> -> memref<640x128xf32, #tpu.memory_space<vmem_shared>>
        tpu.enqueue_dma source(%dma_start3A_125 : memref<640x128xf32, #tpu.memory_space<vmem_shared>>) target(%dma_start3A_123 : memref<640x128xf32, #tpu.memory_space<hbm>>) target_semaphore(%run_scoped3A : memref<!tpu.dma_semaphore, #tpu.memory_space<semaphore_mem>>)
        %dma_wait3A_126 = arith.constant 0 : i32
        %dma_wait3A_127 = tpu.memref_slice %arg4[%arg0, %mul3A_10, %dma_wait3A_126] : memref<2x10000x128xf32, #tpu.memory_space<hbm>> -> memref<1x640x128xf32, #tpu.memory_space<hbm>>
        %dma_wait3A_128 = tpu.memref_squeeze %dma_wait3A_127 : memref<1x640x128xf32, #tpu.memory_space<hbm>> -> memref<640x128xf32, #tpu.memory_space<hbm>>
        %dma_wait3A_129 = arith.constant 0 : i32
        %dma_wait3A_130 = tpu.memref_slice %arg11[%mul3A_10, %dma_wait3A_129] : memref<10240x128xf32, #tpu.memory_space<vmem_shared>> -> memref<640x128xf32, #tpu.memory_space<vmem_shared>>
        tpu.wait_dma2 semaphore(%run_scoped3A : memref<!tpu.dma_semaphore, #tpu.memory_space<semaphore_mem>>) src(%dma_wait3A_130 : memref<640x128xf32, #tpu.memory_space<vmem_shared>>) dst(%dma_wait3A_128 : memref<640x128xf32, #tpu.memory_space<hbm>>)
        tpu.yield
      }) : () -> ()
    } else {
    }
    %eq3A = arith.constant 15 : i32
    %eq3A_117 = arith.cmpi eq, %arg1, %eq3A : i32
    %convert_element_type3A_118 = arith.extui %eq3A_117 : i1 to i32
    %cond3A_119 = arith.constant 0 : i32
    %cond3A_120 = arith.cmpi ne, %convert_element_type3A_118, %cond3A_119 : i32
    scf.if %cond3A_120 {
      "tpu.region"() ({
        %run_scoped3A = tpu.sem_alloc : memref<!tpu.dma_semaphore, #tpu.memory_space<semaphore_mem>>
        %dma_start3A_121 = arith.constant 9600 : i32
        %dma_start3A_122 = arith.constant 0 : i32
        %dma_start3A_123 = tpu.memref_slice %arg4[%arg0, %dma_start3A_121, %dma_start3A_122] : memref<2x10000x128xf32, #tpu.memory_space<hbm>> -> memref<1x400x128xf32, #tpu.memory_space<hbm>>
        %dma_start3A_124 = tpu.memref_squeeze %dma_start3A_123 : memref<1x400x128xf32, #tpu.memory_space<hbm>> -> memref<400x128xf32, #tpu.memory_space<hbm>>
        %dma_start3A_125 = arith.constant 9600 : i32
        %dma_start3A_126 = arith.constant 0 : i32
        %dma_start3A_127 = tpu.memref_slice %arg11[%dma_start3A_125, %dma_start3A_126] : memref<10240x128xf32, #tpu.memory_space<vmem_shared>> -> memref<400x128xf32, #tpu.memory_space<vmem_shared>>
        tpu.enqueue_dma source(%dma_start3A_127 : memref<400x128xf32, #tpu.memory_space<vmem_shared>>) target(%dma_start3A_124 : memref<400x128xf32, #tpu.memory_space<hbm>>) target_semaphore(%run_scoped3A : memref<!tpu.dma_semaphore, #tpu.memory_space<semaphore_mem>>)
        %dma_wait3A_128 = arith.constant 9600 : i32
        %dma_wait3A_129 = arith.constant 0 : i32
        %dma_wait3A_130 = tpu.memref_slice %arg4[%arg0, %dma_wait3A_128, %dma_wait3A_129] : memref<2x10000x128xf32, #tpu.memory_space<hbm>> -> memref<1x400x128xf32, #tpu.memory_space<hbm>>
        %dma_wait3A_131 = tpu.memref_squeeze %dma_wait3A_130 : memref<1x400x128xf32, #tpu.memory_space<hbm>> -> memref<400x128xf32, #tpu.memory_space<hbm>>
        %dma_wait3A_132 = arith.constant 9600 : i32
        %dma_wait3A_133 = arith.constant 0 : i32
        %dma_wait3A_134 = tpu.memref_slice %arg11[%dma_wait3A_132, %dma_wait3A_133] : memref<10240x128xf32, #tpu.memory_space<vmem_shared>> -> memref<400x128xf32, #tpu.memory_space<vmem_shared>>
        tpu.wait_dma2 semaphore(%run_scoped3A : memref<!tpu.dma_semaphore, #tpu.memory_space<semaphore_mem>>) src(%dma_wait3A_134 : memref<400x128xf32, #tpu.memory_space<vmem_shared>>) dst(%dma_wait3A_131 : memref<400x128xf32, #tpu.memory_space<hbm>>)
        tpu.yield
      }) : () -> ()
    } else {
    }
    return
  }
}

module attributes {stable_mosaic.version = 14 : i64} {
  func.func @body(%arg0: i32, %arg1: i32, %arg2: memref<2x1000x128xf32, #tpu.memory_space<vmem>>, %arg3: memref<1000x128xf32, #tpu.memory_space<vmem>>, %arg4: memref<128x128xf32, #tpu.memory_space<vmem>>, %arg5: memref<128x128xf32, #tpu.memory_space<vmem>>, %arg6: memref<1x128xf32, #tpu.memory_space<vmem>>, %arg7: memref<1x128xf32, #tpu.memory_space<vmem>>, %arg8: memref<1x128xf32, #tpu.memory_space<vmem>>, %arg9: memref<1000x128xf32, #tpu.memory_space<vmem>>, %arg10: memref<10000x128xf32, #tpu.memory_space<vmem>>, %arg11: memref<1x128xf32, #tpu.memory_space<vmem>>, %arg12: memref<1x128xf32, #tpu.memory_space<vmem>>) attributes {dimension_semantics = [#tpu.dimension_semantics<arbitrary>, #tpu.dimension_semantics<arbitrary>], iteration_bounds = array<i64: 2, 10>, scalar_prefetch = 0 : i64, scratch_operands = 3 : i64, tpu.core_type = #tpu.core_type<tc>, window_params = [{transform_indices = @transform_0, window_bounds = array<i64: 2, 1000, 128>}, {transform_indices = @transform_1, window_bounds = array<i64: 1000, 128>}, {pipeline_mode = #tpu.pipeline_mode<synchronous>, transform_indices = @transform_2, window_bounds = array<i64: 128, 128>}, {pipeline_mode = #tpu.pipeline_mode<synchronous>, transform_indices = @transform_3, window_bounds = array<i64: 128, 128>}, {pipeline_mode = #tpu.pipeline_mode<synchronous>, transform_indices = @transform_4, window_bounds = array<i64: 1, 128>}, {pipeline_mode = #tpu.pipeline_mode<synchronous>, transform_indices = @transform_5, window_bounds = array<i64: 1, 128>}, {pipeline_mode = #tpu.pipeline_mode<synchronous>, transform_indices = @transform_6, window_bounds = array<i64: 1, 128>}, {transform_indices = @transform_7, window_bounds = array<i64: 1000, 128>}]} {
    %eq3A = arith.constant 0 : i32
    %eq3A_0 = arith.cmpi eq, %arg0, %eq3A : i32
    %convert_element_type3A = arith.extui %eq3A_0 : i1 to i32
    %cond3A = arith.constant 0 : i32
    %cond3A_1 = arith.cmpi ne, %convert_element_type3A, %cond3A : i32
    scf.if %cond3A_1 {
      %get3A = arith.constant 0 : index
      %get3A_7 = arith.constant 0 : index
      %get3A_8 = arith.constant 0 : index
      %get3A_9 = vector.load %arg2[%get3A, %get3A_7, %get3A_8] : memref<2x1000x128xf32, #tpu.memory_space<vmem>>, vector<1x1000x128xf32>
      %get3A_10 = vector.shape_cast %get3A_9 : vector<1x1000x128xf32> to vector<1000x128xf32>
      %get3A_11 = arith.constant 1 : index
      %get3A_12 = arith.constant 0 : index
      %get3A_13 = arith.constant 0 : index
      %get3A_14 = vector.load %arg2[%get3A_11, %get3A_12, %get3A_13] : memref<2x1000x128xf32, #tpu.memory_space<vmem>>, vector<1x1000x128xf32>
      %get3A_15 = vector.shape_cast %get3A_14 : vector<1x1000x128xf32> to vector<1000x128xf32>
      %add3A = arith.addf %get3A_10, %get3A_15 : vector<1000x128xf32>
      %get3A_16 = arith.constant 0 : index
      %get3A_17 = arith.constant 0 : index
      %get3A_18 = vector.load %arg4[%get3A_16, %get3A_17] : memref<128x128xf32, #tpu.memory_space<vmem>>, vector<128x128xf32>
      %dot_general3A = arith.constant dense<0.000000e+00> : vector<1000x128xf32>
      %dot_general3A_19 = tpu.matmul %add3A, %get3A_18, %dot_general3A {dimension_numbers = #tpu.dot_dimension_numbers<[1], [1], [0], [0], [0, 0, 1, 0], [], []>, transpose_lhs_hint = false} : vector<1000x128xf32>, vector<128x128xf32>, vector<1000x128xf32> -> vector<1000x128xf32>
      %get3A_20 = arith.constant 0 : index
      %get3A_21 = arith.constant 0 : index
      %get3A_22 = vector.load %arg3[%get3A_20, %get3A_21] : memref<1000x128xf32, #tpu.memory_space<vmem>>, vector<1000x128xf32>
      %get3A_23 = arith.constant 0 : index
      %get3A_24 = arith.constant 0 : index
      %get3A_25 = vector.load %arg5[%get3A_23, %get3A_24] : memref<128x128xf32, #tpu.memory_space<vmem>>, vector<128x128xf32>
      %dot_general3A_26 = arith.constant dense<0.000000e+00> : vector<1000x128xf32>
      %dot_general3A_27 = tpu.matmul %get3A_22, %get3A_25, %dot_general3A_26 {dimension_numbers = #tpu.dot_dimension_numbers<[1], [1], [0], [0], [0, 0, 1, 0], [], []>, transpose_lhs_hint = false} : vector<1000x128xf32>, vector<128x128xf32>, vector<1000x128xf32> -> vector<1000x128xf32>
      %add3A_28 = arith.addf %dot_general3A_19, %dot_general3A_27 : vector<1000x128xf32>
      %get3A_29 = arith.constant 0 : index
      %get3A_30 = arith.constant 0 : index
      %get3A_31 = vector.load %arg6[%get3A_29, %get3A_30] : memref<1x128xf32, #tpu.memory_space<vmem>>, vector<1x128xf32>
      %add3A_32 = vector.broadcast %get3A_31 : vector<1x128xf32> to vector<1000x128xf32>
      %add3A_33 = arith.addf %add3A_28, %add3A_32 : vector<1000x128xf32>
      %mul3A = arith.constant 1000 : i32
      %mul3A_34 = arith.muli %arg1, %mul3A : i32
      %swap3A = arith.index_cast %mul3A_34 : i32 to index
      %swap3A_35 = arith.constant 0 : index
      %swap3A_36 = vector.load %arg10[%swap3A, %swap3A_35] : memref<10000x128xf32, #tpu.memory_space<vmem>>, vector<1000x128xf32>
      tpu.vector_store %arg10[%swap3A, %swap3A_35], %add3A_33 {strides = array<i32>} : memref<10000x128xf32, #tpu.memory_space<vmem>>, vector<1000x128xf32>,
      %swap3A_37 = arith.constant 0 : index
      %swap3A_38 = arith.constant 0 : index
      %swap3A_39 = vector.load %arg9[%swap3A_37, %swap3A_38] : memref<1000x128xf32, #tpu.memory_space<vmem>>, vector<1000x128xf32>
      tpu.vector_store %arg9[%swap3A_37, %swap3A_38], %add3A_33 {strides = array<i32>} : memref<1000x128xf32, #tpu.memory_space<vmem>>, vector<1000x128xf32>,
      %eq3A_40 = arith.constant 0 : i32
      %eq3A_41 = arith.cmpi eq, %arg1, %eq3A_40 : i32
      %convert_element_type3A_42 = arith.extui %eq3A_41 : i1 to i32
      %cond3A_43 = arith.constant 0 : i32
      %cond3A_44 = arith.cmpi ne, %convert_element_type3A_42, %cond3A_43 : i32
      scf.if %cond3A_44 {
        %broadcast_in_dim3A_64 = arith.constant 0.000000e+00 : f32
        %broadcast_in_dim3A_65 = vector.broadcast %broadcast_in_dim3A_64 : f32 to vector<1x128xf32>
        %swap3A_66 = arith.constant 0 : index
        %swap3A_67 = arith.constant 0 : index
        %swap3A_68 = vector.load %arg11[%swap3A_66, %swap3A_67] : memref<1x128xf32, #tpu.memory_space<vmem>>, vector<1x128xf32>
        tpu.vector_store %arg11[%swap3A_66, %swap3A_67], %broadcast_in_dim3A_65 {strides = array<i32>} : memref<1x128xf32, #tpu.memory_space<vmem>>, vector<1x128xf32>,
        %broadcast_in_dim3A_69 = arith.constant 0.000000e+00 : f32
        %broadcast_in_dim3A_70 = vector.broadcast %broadcast_in_dim3A_69 : f32 to vector<1x128xf32>
        %swap3A_71 = arith.constant 0 : index
        %swap3A_72 = arith.constant 0 : index
        %swap3A_73 = vector.load %arg12[%swap3A_71, %swap3A_72] : memref<1x128xf32, #tpu.memory_space<vmem>>, vector<1x128xf32>
        tpu.vector_store %arg12[%swap3A_71, %swap3A_72], %broadcast_in_dim3A_70 {strides = array<i32>} : memref<1x128xf32, #tpu.memory_space<vmem>>, vector<1x128xf32>,
      } else {
      }
      %get3A_45 = arith.constant 0 : index
      %get3A_46 = arith.constant 0 : index
      %get3A_47 = vector.load %arg11[%get3A_45, %get3A_46] : memref<1x128xf32, #tpu.memory_space<vmem>>, vector<1x128xf32>
      %reduce_sum3A = arith.constant dense<0.000000e+00> : vector<128xf32>
      %reduce_sum3A_48 = vector.multi_reduction <add>, %add3A_33, %reduce_sum3A [0] : vector<1000x128xf32> to vector<128xf32>
      %broadcast_in_dim3A = vector.shape_cast %reduce_sum3A_48 : vector<128xf32> to vector<1x128xf32>
      %add3A_49 = arith.addf %get3A_47, %broadcast_in_dim3A : vector<1x128xf32>
      %swap3A_50 = arith.constant 0 : index
      %swap3A_51 = arith.constant 0 : index
      %swap3A_52 = vector.load %arg11[%swap3A_50, %swap3A_51] : memref<1x128xf32, #tpu.memory_space<vmem>>, vector<1x128xf32>
      tpu.vector_store %arg11[%swap3A_50, %swap3A_51], %add3A_49 {strides = array<i32>} : memref<1x128xf32, #tpu.memory_space<vmem>>, vector<1x128xf32>,
      %get3A_53 = arith.constant 0 : index
      %get3A_54 = arith.constant 0 : index
      %get3A_55 = vector.load %arg12[%get3A_53, %get3A_54] : memref<1x128xf32, #tpu.memory_space<vmem>>, vector<1x128xf32>
      %mul3A_56 = arith.mulf %add3A_33, %add3A_33 : vector<1000x128xf32>
      %reduce_sum3A_57 = arith.constant dense<0.000000e+00> : vector<128xf32>
      %reduce_sum3A_58 = vector.multi_reduction <add>, %mul3A_56, %reduce_sum3A_57 [0] : vector<1000x128xf32> to vector<128xf32>
      %broadcast_in_dim3A_59 = vector.shape_cast %reduce_sum3A_58 : vector<128xf32> to vector<1x128xf32>
      %add3A_60 = arith.addf %get3A_55, %broadcast_in_dim3A_59 : vector<1x128xf32>
      %swap3A_61 = arith.constant 0 : index
      %swap3A_62 = arith.constant 0 : index
      %swap3A_63 = vector.load %arg12[%swap3A_61, %swap3A_62] : memref<1x128xf32, #tpu.memory_space<vmem>>, vector<1x128xf32>
      tpu.vector_store %arg12[%swap3A_61, %swap3A_62], %add3A_60 {strides = array<i32>} : memref<1x128xf32, #tpu.memory_space<vmem>>, vector<1x128xf32>,
    } else {
    }
    %eq3A_2 = arith.constant 1 : i32
    %eq3A_3 = arith.cmpi eq, %arg0, %eq3A_2 : i32
    %convert_element_type3A_4 = arith.extui %eq3A_3 : i1 to i32
    %cond3A_5 = arith.constant 0 : i32
    %cond3A_6 = arith.cmpi ne, %convert_element_type3A_4, %cond3A_5 : i32
    scf.if %cond3A_6 {
      %get3A = arith.constant 0 : index
      %get3A_7 = arith.constant 0 : index
      %get3A_8 = vector.load %arg11[%get3A, %get3A_7] : memref<1x128xf32, #tpu.memory_space<vmem>>, vector<1x128xf32>
      %mul3A = arith.constant 9.99999974E-5 : f32
      %mul3A_9 = vector.broadcast %mul3A : f32 to vector<1x128xf32>
      %mul3A_10 = arith.mulf %get3A_8, %mul3A_9 : vector<1x128xf32>
      %get3A_11 = arith.constant 0 : index
      %get3A_12 = arith.constant 0 : index
      %get3A_13 = vector.load %arg12[%get3A_11, %get3A_12] : memref<1x128xf32, #tpu.memory_space<vmem>>, vector<1x128xf32>
      %mul3A_14 = arith.constant 9.99999974E-5 : f32
      %mul3A_15 = vector.broadcast %mul3A_14 : f32 to vector<1x128xf32>
      %mul3A_16 = arith.mulf %get3A_13, %mul3A_15 : vector<1x128xf32>
      %mul3A_17 = arith.mulf %mul3A_10, %mul3A_10 : vector<1x128xf32>
      %sub3A = arith.subf %mul3A_16, %mul3A_17 : vector<1x128xf32>
      %get3A_18 = arith.constant 0 : index
      %get3A_19 = arith.constant 0 : index
      %get3A_20 = vector.load %arg7[%get3A_18, %get3A_19] : memref<1x128xf32, #tpu.memory_space<vmem>>, vector<1x128xf32>
      %add3A = arith.constant 9.99999974E-6 : f32
      %add3A_21 = vector.broadcast %add3A : f32 to vector<1x128xf32>
      %add3A_22 = arith.addf %sub3A, %add3A_21 : vector<1x128xf32>
      %rsqrt3A = math.rsqrt %add3A_22 : vector<1x128xf32>
      %mul3A_23 = arith.mulf %get3A_20, %rsqrt3A : vector<1x128xf32>
      %get3A_24 = arith.constant 0 : index
      %get3A_25 = arith.constant 0 : index
      %get3A_26 = vector.load %arg8[%get3A_24, %get3A_25] : memref<1x128xf32, #tpu.memory_space<vmem>>, vector<1x128xf32>
      %mul3A_27 = arith.mulf %mul3A_10, %mul3A_23 : vector<1x128xf32>
      %sub3A_28 = arith.subf %get3A_26, %mul3A_27 : vector<1x128xf32>
      %mul3A_29 = arith.constant 1000 : i32
      %mul3A_30 = arith.muli %arg1, %mul3A_29 : i32
      %get3A_31 = arith.index_cast %mul3A_30 : i32 to index
      %get3A_32 = arith.constant 0 : index
      %get3A_33 = vector.load %arg10[%get3A_31, %get3A_32] : memref<10000x128xf32, #tpu.memory_space<vmem>>, vector<1000x128xf32>
      %mul3A_34 = vector.broadcast %mul3A_23 : vector<1x128xf32> to vector<1000x128xf32>
      %mul3A_35 = arith.mulf %get3A_33, %mul3A_34 : vector<1000x128xf32>
      %add3A_36 = vector.broadcast %sub3A_28 : vector<1x128xf32> to vector<1000x128xf32>
      %add3A_37 = arith.addf %mul3A_35, %add3A_36 : vector<1000x128xf32>
      %max3A = arith.constant 0.000000e+00 : f32
      %max3A_38 = vector.broadcast %max3A : f32 to vector<1000x128xf32>
      %max3A_39 = arith.maximumf %add3A_37, %max3A_38 : vector<1000x128xf32>
      %swap3A = arith.constant 0 : index
      %swap3A_40 = arith.constant 0 : index
      %swap3A_41 = vector.load %arg9[%swap3A, %swap3A_40] : memref<1000x128xf32, #tpu.memory_space<vmem>>, vector<1000x128xf32>
      tpu.vector_store %arg9[%swap3A, %swap3A_40], %max3A_39 {strides = array<i32>} : memref<1000x128xf32, #tpu.memory_space<vmem>>, vector<1000x128xf32>,
    } else {
    }
    return
  }
  func.func @transform_0(%arg0: i32, %arg1: i32) -> (i32, i32, i32) {
    %sub3A = arith.constant 1 : i32
    %sub3A_0 = arith.subi %sub3A, %arg0 : i32
    %mul3A = arith.muli %sub3A_0, %arg1 : i32
    %c0_i32 = arith.constant 0 : i32
    %c0_i32_1 = arith.constant 0 : i32
    %c0_i32_2 = arith.constant 0 : i32
    return %c0_i32, %mul3A, %c0_i32_1 : i32, i32, i32
  }
  func.func @transform_1(%arg0: i32, %arg1: i32) -> (i32, i32) {
    %sub3A = arith.constant 1 : i32
    %sub3A_0 = arith.subi %sub3A, %arg0 : i32
    %mul3A = arith.muli %sub3A_0, %arg1 : i32
    %c0_i32 = arith.constant 0 : i32
    %c0_i32_1 = arith.constant 0 : i32
    return %mul3A, %c0_i32 : i32, i32
  }
  func.func @transform_2(%arg0: i32, %arg1: i32) -> (i32, i32) {
    %c0_i32 = arith.constant 0 : i32
    %c0_i32_0 = arith.constant 0 : i32
    %c0_i32_1 = arith.constant 0 : i32
    return %c0_i32, %c0_i32_0 : i32, i32
  }
  func.func @transform_3(%arg0: i32, %arg1: i32) -> (i32, i32) {
    %c0_i32 = arith.constant 0 : i32
    %c0_i32_0 = arith.constant 0 : i32
    %c0_i32_1 = arith.constant 0 : i32
    return %c0_i32, %c0_i32_0 : i32, i32
  }
  func.func @transform_4(%arg0: i32, %arg1: i32) -> (i32, i32) {
    %c0_i32 = arith.constant 0 : i32
    %c0_i32_0 = arith.constant 0 : i32
    %c0_i32_1 = arith.constant 0 : i32
    return %c0_i32, %c0_i32_0 : i32, i32
  }
  func.func @transform_5(%arg0: i32, %arg1: i32) -> (i32, i32) {
    %c0_i32 = arith.constant 0 : i32
    %c0_i32_0 = arith.constant 0 : i32
    %c0_i32_1 = arith.constant 0 : i32
    return %c0_i32, %c0_i32_0 : i32, i32
  }
  func.func @transform_6(%arg0: i32, %arg1: i32) -> (i32, i32) {
    %c0_i32 = arith.constant 0 : i32
    %c0_i32_0 = arith.constant 0 : i32
    %c0_i32_1 = arith.constant 0 : i32
    return %c0_i32, %c0_i32_0 : i32, i32
  }
  func.func @transform_7(%arg0: i32, %arg1: i32) -> (i32, i32) {
    %c0_i32 = arith.constant 0 : i32
    %c0_i32_0 = arith.constant 0 : i32
    return %arg1, %c0_i32 : i32, i32
  }
}

</mosaic_0001>

<sc_bundles>
// kernel: kernel.4.cloned.1.call-start
scs
__scs_entry_jumppad:
0x0: {  	(pc) =	sbr.rel $0x88, $3  }
0x1: {  	(tag) =	ssettag $0x0;
	lr =	simm.s32 $0x1  }
0x2: {  	[smem:$0x3F9A] =	sst lr;
	_ =	strace $0xD0000000  }
0x3: {  	_ = 	snop  }
0x4: {  	_ = 	snop  }
0x5: {  	_ = 	snop  }
0x6: {  	_ = 	snop  }
0x7: {  	_ = 	snop  }
__scs_overlays_trampoline_lowered:
0x8: {  	[smem:$0x3FA9] =	sst s0  }
0x9: {  	[smem:$0x3FAA] =	sst s1  }
0xa: {  	[smem:$0x3FAB] =	sst s2  }
0xb: {  	[smem:$0x3FAC] =	sst s3  }
0xc: {  	[smem:$0x3FAD] =	sst s4  }
0xd: {  	[smem:$0x3FAE] =	sst s5  }
0xe: {  	[smem:$0x3FAF] =	sst s6  }
0xf: {  	[smem:$0x3FB0] =	sst s7  }
0x10: {  	[smem:$0x3FB1] =	sst s8  }
0x11: {  	[smem:$0x3FB2] =	sst s9;
	s0 =	simm.s32 @!p0 $0x0  }
0x12: {  	s1 =	sld [smem:$0x3F98];
	s0 =	simm.s32 @p0 $0x1  }
0x13: {  	[smem:$0x3FB3] =	sst s0;
	s0 =	simm.s32 @!p1 $0x0  }
0x14: {  	s2 =	sld [smem:$0x3F97];
	s0 =	simm.s32 @p1 $0x1  }
0x15: {  	[smem:$0x3FB4] =	sst s0;
	s0 =	simm.s32 @!p2 $0x0  }
0x16: {  	s3 =	sld [smem:$0x3FDB];
	s0 =	simm.s32 @p2 $0x1  }
0x17: {  	s4 =	simm.s32 $0x1BF5;
	[smem:$0x3FB6] =	sst s0  }
0x18: {  	s0 =	sld [smem:$0x3F99];
	_ =	swait.ge [sflag:s4], $0x0  }
0x19: {  	s7 =	sld [smem:$0x3F9A]  }
0x1a: {  	s8 =	sadd.s32 $0xFFFFE003, lr  }
0x1b: {  	s9 =	sadd.s32 $0xFFFFFEF7, lr;
	s5 =	simm.s32 $0xFFFFFFFF;
	p2 =	slt.u32 s8, $0xFFFFF086  }
0x1c: {  	p1 =	slt.u32 s9, $0xF7A;
	s5 =	simm.s32 @!p2 $0x0  }
0x1d: {  	s5 =	simm.s32 @p1 $0x1;
	p0 =	seq.s32 s7, s2  }
0x1e: {  	s7 =	smul.u32 @!p0 $0xF7A, s2;
	p2 =	seq.s32 @!p0 s5, $0x0  }
0x1f: {  	s9 =	smul.u32 $0xF7A, s1;
	s8 =	simm.s32 @!p0 $0x1BF5;
	p2 =	por !p2, p0  }
0x20: {  	[sflag:s8] =	ssyncset.s32 @!p0 $0xFFFFF086;
	s6 =	sadd.s32 @!p0 s3, s7;
	s7 =	simm.s32 @!p0 $0x108  }
0x21: {  	s3 =	sadd.s32 s3, s9;
	s6 =	sadd.s32 @!p0 $0x88, s6;
	s7 =	simm.s32 @p2 $0x1082  }
0x22: {  	[simem:s7], [sflag:s8] =	dma.local @!p0 [hbm:s6], $0xF7A  }
0x23: {  	s9 =	sor.u32 $0xD0000000, s2;
	s6 =	simm.s32 $0x108;
	_ =	swait.ge @!p0 [sflag:s8], $0x0  }
0x24: {  	s3 =	sadd.s32 $0x88, s3;
	s6 =	simm.s32 @!p1 $0x1082;
	[sflag:s4] =	ssyncset.s32 $0xFFFFF086  }
0x25: {  	[simem:s6], [sflag:s4] =	dma.local [hbm:s3], $0xF7A  }
0x26: {  	[smem:$0x3F9A] =	sst s1;
	(tag) =	ssettag s2;
	_ =	strace s9  }
0x27: {  	s1 =	sld [smem:$0x3FAA]  }
0x28: {  	s2 =	sld [smem:$0x3FAB]  }
0x29: {  	s4 =	sld [smem:$0x3FAD]  }
0x2a: {  	p0 =	seq.s32 s5, $0x0;
	s5 =	sld [smem:$0x3FAE]  }
0x2b: {  	s6 =	sld [smem:$0x3FAF]  }
0x2c: {  	s7 =	sld [smem:$0x3FB0]  }
0x2d: {  	s3 =	simm.s32 $0x108;
	s8 =	sld [smem:$0x3FB1]  }
0x2e: {  	s3 =	simm.s32 @!p0 $0x1082;
	s9 =	sld [smem:$0x3FB2]  }
0x2f: {  	lr =	sadd.s32 s0, s3;
	s0 =	sld [smem:$0x3FA9]  }
0x30: {  	s3 =	sld [smem:$0x3FAC]  }
0x31: {  	[smem:$0x3FB5] =	sst s10  }
0x32: {  	s10 =	sld [smem:$0x3FB3];
	_ =	sdelay $0x3  }
0x33: {  	p0 =	seq.s32 s10, $0x1;
	s10 =	sld [smem:$0x3FB5];
	_ =	sdelay $0x3  }
0x34: {  	[smem:$0x3FB5] =	sst s10  }
0x35: {  	s10 =	sld [smem:$0x3FB4];
	_ =	sdelay $0x3  }
0x36: {  	p1 =	seq.s32 s10, $0x1;
	s10 =	sld [smem:$0x3FB5];
	_ =	sdelay $0x3  }
0x37: {  	[smem:$0x3FB5] =	sst s10  }
0x38: {  	s10 =	sld [smem:$0x3FB6]  }
0x39: {  	_ = 	snop;
	(pc) =	sbr.ind lr, $3  }
0x3a: {  	_ = 	snop  }
0x3b: {  	_ = 	snop  }
0x3c: {  	p2 =	seq.s32 s10, $0x1;
	s10 =	sld [smem:$0x3FB5]  }
0x3d: {  	_ =	shalt  }
0x3e: {  	_ =	shalt  }
0x3f: {  	_ =	shalt  }
0x40: {  	_ =	shalt  }
0x41: {  	_ =	shalt  }
0x42: {  	_ =	shalt  }
0x43: {  	_ =	shalt  }
0x44: {  	_ =	shalt  }
0x45: {  	_ =	shalt  }
0x46: {  	_ =	shalt  }
0x47: {  	_ =	shalt  }
0x48: {  	_ =	shalt  }
0x49: {  	_ =	shalt  }
0x4a: {  	_ =	shalt  }
0x4b: {  	_ =	shalt  }
0x4c: {  	_ =	shalt  }
0x4d: {  	_ =	shalt  }
0x4e: {  	_ =	shalt  }
0x4f: {  	_ =	shalt  }
0x50: {  	_ =	shalt  }
0x51: {  	_ =	shalt  }
0x52: {  	_ =	shalt  }
0x53: {  	_ =	shalt  }
0x54: {  	_ =	shalt  }
0x55: {  	_ =	shalt  }
0x56: {  	_ =	shalt  }
0x57: {  	_ =	shalt  }
0x58: {  	_ =	shalt  }
0x59: {  	_ =	shalt  }
0x5a: {  	_ =	shalt  }
0x5b: {  	_ =	shalt  }
0x5c: {  	_ =	shalt  }
0x5d: {  	_ =	shalt  }
0x5e: {  	_ =	shalt  }
0x5f: {  	_ =	shalt  }
0x60: {  	_ =	shalt  }
0x61: {  	_ =	shalt  }
0x62: {  	_ =	shalt  }
0x63: {  	_ =	shalt  }
0x64: {  	_ =	shalt  }
0x65: {  	_ =	shalt  }
0x66: {  	_ =	shalt  }
0x67: {  	_ =	shalt  }
0x68: {  	_ =	shalt  }
0x69: {  	_ =	shalt  }
0x6a: {  	_ =	shalt  }
0x6b: {  	_ =	shalt  }
0x6c: {  	_ =	shalt  }
0x6d: {  	_ =	shalt  }
0x6e: {  	_ =	shalt  }
0x6f: {  	_ =	shalt  }
0x70: {  	_ =	shalt  }
0x71: {  	_ =	shalt  }
0x72: {  	_ =	shalt  }
0x73: {  	_ =	shalt  }
0x74: {  	_ =	shalt  }
0x75: {  	_ =	shalt  }
0x76: {  	_ =	shalt  }
0x77: {  	_ =	shalt  }
0x78: {  	_ =	shalt  }
0x79: {  	_ =	shalt  }
0x7a: {  	_ =	shalt  }
0x7b: {  	_ =	shalt  }
0x7c: {  	_ =	shalt  }
0x7d: {  	_ =	shalt  }
0x7e: {  	_ =	shalt  }
0x7f: {  	_ =	shalt  }
0x80: {  	_ =	shalt  }
0x81: {  	_ =	shalt  }
0x82: {  	_ =	shalt  }
0x83: {  	_ =	shalt  }
0x84: {  	_ =	shalt  }
0x85: {  	_ =	shalt  }
0x86: {  	_ =	shalt  }
0x87: {  	_ =	shalt  }
.Lfunc_end0:
.L_simem_size_0:
called_computation_lowered:
.L_overlay_start_0:
0x88: {  	s2 =	sld [smem:$0x3FD9]  }
0x89: {  	s3 =	sld [smem:$0x3FFE];
	_ =	sdelay $0x1  }
0x8a: {  	s1 =	srdreg.scid  }
0x8b: {  	s0 =	sand.u32 $0x1, s1  }
0x8c: {  	s17 =	sshll.u32 s0, $0xA;
	s2 =	sadd.s32 s3, s2  }
0x8d: {  	s2 =	sadd.s32 s2, s17  }
0x8e: {  	[smem:$0x3FC1] =	sst s2  }
0x8f: {  	_ = 	snop  }
0x90: {  	s2 =	sld [smem:$0x3FC9]  }
0x91: {  	s18 =	sld [smem:$0x3FD0];
	(tm) =	ssettm $0x1  }
0x92: {  	s4 =	sld [smem:$0x3FFB];
	_ =	sdelay $0x3  }
0x93: {  	_ =	strace s4  }
0x94: {  	s4 =	sld [smem:$0x3FFC];
	_ =	sdelay $0x3  }
0x95: {  	_ =	strace s4  }
0x96: {  	s4 =	sld [smem:$0x3FFD];
	_ =	sdelay $0x3  }
0x97: {  	_ =	strace s4  }
0x98: {  	_ =	strace $0x8FFFFFFF  }
0x99: {  	s19 =	sld [smem:$0x3FDB];
	_ =	sdelay $0x1  }
0x9a: {  	s5 =	simm.s32 $_scs_section_size  }
0x9b: {  	s6 =	simm.s32 $_size__tile_overlayer_lowered;
	s7 =	simm.s32 $_tile_overlayer_lowered  }
0x9c: {  	s22 =	simm.s32 $0x1BFF;
	s21 =	sshll.u32 s7, $0x1;
	s4 =	sadd.s32 s5, s19  }
0x9d: {  	s8 =	simm.s32 $0x0;
	s20 =	sshll.u32 s6, $0x1;
	s6 =	sadd.s32 s21, s4  }
0x9e: {  	[timem:s8], [sflag:s22] =	dma.local [hbm:s6], s20  }
0x9f: {  	_ =	swait.ge [sflag:s22], s20  }
0xa0: {  	s5 =	ssub.s32 $0x0, s20;
	[sflag:s22] =	ssyncset.done $0x0  }
0xa1: {  	[sflag:s22] =	ssyncadd.s32 s5;
	_ =	sdelay $0x1  }
0xa2: {  	s23 =	simm.s32 $0x1B8B  }
0xa3: {  	_ =	swait.ge [sflag:s23], $0x1  }
0xa4: {  	[sflag:s23] =	ssyncset.done $0x0  }
0xa5: {  	s25 =	simm.s32 $0x1B8E;
	s24 =	sld [smem:$0x3FFE];
	[sflag:s23] =	ssyncadd.s32 $0xFFFFFFFF  }
0xa6: {  	s26 =	simm.s32 $execute0_lowered;
	[smem:$0x3FD2] =	sst s25  }
0xa7: {  	s6 =	sshll.u32 s26, $0x1;
	_ =	strace $0x80000046;
	[dreg:$0x1] =	wrdreg $0xFFFFFFFF  }
0xa8: {  	s28 =	simm.s32 $_size_execute0_lowered;
	s4 =	sadd.s32 s4, s6;
	[dreg:$0x0] =	wrdreg $0x0  }
0xa9: {  	s6 =	sshll.u32 s28, $0x1;
	[dreg:$0x2] =	wrdreg s4  }
0xaa: {  	[dreg:$0x3] =	wrdreg s6  }
0xab: {  	[dreg:$0x4] =	wrdreg $0xC0  }
0xac: {  	_ =	task [dreg:s8], $0x5FFFF  }
0xad: {  	[dreg:$0x1] =	wrdreg $0xFFFFFFFF  }
0xae: {  	[dreg:$0x0] =	wrdreg $0x60  }
0xaf: {  	[dreg:$0x2] =	wrdreg s2  }
0xb0: {  	[dreg:$0x3] =	wrdreg s18  }
0xb1: {  	[dreg:$0x4] =	wrdreg s24  }
0xb2: {  	[dreg:$0x5] =	wrdreg $0x82000  }
0xb3: {  	[dreg:$0x6] =	wrdreg $0x9  }
0xb4: {  	_ =	task.clear_ibuf [dreg:s8], $0x7FFFF;
	_ =	strace $0x90000046  }
0xb5: {  	s29 =	simm.s32 $0x9;
	_ =	strace $0x80000048  }
0xb6: {  	_ =	swait.ge [sflag:s29], $0x1  }
0xb7: {  	[sflag:s29] =	ssyncadd.s32 $0xFFFFFFFF  }
0xb8: {  	_ =	strace $0x90000048  }
0xb9: {  	_ =	sfence  }
0xba: {  	s30 =	sld [smem:$0x0];
	_ =	sdelay $0x2  }
0xbb: {  	s31 =	sshll.u32 s1, $0xD;
	s1 =	sshrl.u32 s1, $0x2  }
0xbc: {  	s3 =	sand.u32 $0x4000, s31;
	s1 =	sadd.s32 s1, s30  }
0xbd: {  	s0 =	sor.u32 s3, s0;
	s1 =	sshll.u32 s1, $0x11  }
0xbe: {  	s0 =	sor.u32 s1, s0  }
0xbf: {  	s0 =	sadd.s32 $0x8F2B, s0  }
0xc0: {  	[sflag:s0] =	ssyncadd.remote.s32 $0x1  }
0xc1: {  	_ =	sfence.sel $0xFFFF  }
0xc2: {  	[dreg:$0x0] =	wrdreg $0xFFFFFFFF;
	(pc) =	sbr.abs _section_cstart, $3  }
0xc3: {  	[dreg:$0x1] =	wrdreg $0xFFFFFFFF  }
0xc4: {  	_ =	task.clear_ibuf [dreg:s8], $0x2FFFF;
	_ =	strace $0x9FFFFFFF  }
0xc5: {  	(tm) =	ssettm $0x7FFFFFFF  }
tec
execute0_lowered:
.L_overlay_start_1:
0x0: {  	(tag) =	ssettag $0x1  }
0x1: {  	s1 =	rddreg [dreg:$0x0]  }
0x2: {  	s2 =	rddreg [dreg:$0x1]  }
0x3: {  	s6 =	rddreg [dreg:$0x2]  }
0x4: {  	s3 =	rddreg [dreg:$0x3];
	s5 =	simm.s32 $0x0;
	s7 =	srdreg.scid  }
0x5: {  	s0 =	stileid.u32;
	s22 =	simm.s32 $0x80;
	s24 =	simm.s32 $0x7  }
0x6: {  	s26 =	simm.s32 $0x5;
	s28 =	simm.s32 $0x6;
	[smem:$0x7FF] =	sst s5  }
0x7: {  	s10 =	sand.u32 $0x1, s7;
	s9 =	smul.u32 $0x50000, s0;
	s18 =	sadd.s32 $0x1800, s6  }
0x8: {  	s6 =	simm.s32 $0x4F;
	s17 =	smul.u32 $0x14000, s0;
	s25 =	sadd.s32 $0x12C000, s3  }
0x9: {  	_ =	strace $0x80000047;
	s7 =	ssub.s32 $0x2, s10;
	s8 =	sshll.u32 s10, $0x4  }
0xa: {  	s16 =	smul.u32 $0x138800, s10;
	s11 =	sshrl.u32 s7, $0x1;
	s13 =	sor.u32 s0, s8  }
0xb: {  	s31 =	sshrl.u32 s9, $0x2;
	p0 =	slt.u32 s13, $0x4;
	s19 =	ssub.s32 s7, s11  }
0xc: {  	s7 =	sadd.s32 s31, s3;
	s12 =	sshll.u32 s13, $0x4;
	s13 =	sshll.u32 s13, $0x7  }
0xd: {  	s17 =	sadd.s32 s17, s16;
	s21 =	sshrl.u32 s16, $0x3;
	s6 =	simm.s32 @!p0 $0x4E  }
0xe: {  	s8 =	sadd.s32 $0x4000, s7;
	s9 =	sadd.s32 $0x8000, s7;
	s10 =	sadd.s32 $0xC000, s7  }
0xf: {  	s11 =	sadd.s32 $0x10000, s7;
	s12 =	sadd.s32 s2, s12;
	s15 =	sadd.s32 $0x4E200, s13  }
0x10: {  	s17 =	sshrl.u32 s17, $0x3;
	s19 =	smax.u32 s19, $0x1;
	p0 =	seq.s32 s0, $0xF  }
0x11: {  	s14 =	sadd.s32 $0x200, s12;
	s20 =	sshrl.u32 s15, $0x3;
	s17 =	sadd.s32 s18, s17  }
0x12: {  	s18 =	sadd.s32 s18, s21;
	s21 =	simm.s32 $0x1;
	s25 =	sshrl.u32 @p0 s25, $0x3  }
0x13: {  	v0 =	vimm.f32 $0.0e+00;
	s16 =	sadd.s32 s2, s20;
	s18 =	sadd.s32 $0x25800, s18;
	s20 =	simm.s32 $0x200  }
.LBB2_1:
0x14: {  	s29 =	simm.s32 $0x0;
	s30 =	simm.s32 $0x200  }
.LBB2_2:
0x15: {  	p1 =	sne.s32 s30, $0xFE00;
	[tilespmem:s29+$0x270] =	vst v0  }
0x16: {  	[tilespmem:s29+$0x200] =	vst v0  }
0x17: {  	[tilespmem:s29+$0x210] =	vst v0  }
.Ltmp0:
0x18: {  	[tilespmem:s29+$0x220] =	vst v0;
	(pc) =	sbr.rel @p1 .LBB2_2-.Ltmp0, $4  }
0x19: {  	[tilespmem:s29+$0x230] =	vst v0  }
0x1a: {  	[tilespmem:s29+$0x240] =	vst v0  }
0x1b: {  	[tilespmem:s29+$0x250] =	vst v0  }
0x1c: {  	[tilespmem:s29+$0x260] =	vst v0;
	s29 =	sshra.s32 s30, $0x2;
	s30 =	sadd.s32 $0x200, s30  }
0x1d: {  	[tilespmem:s29+$0x270] =	vst v0  }
0x1e: {  	[tilespmem:s29+$0x200] =	vst v0  }
0x1f: {  	[tilespmem:s29+$0x210] =	vst v0  }
0x20: {  	[tilespmem:s29+$0x220] =	vst v0  }
0x21: {  	[tilespmem:s29+$0x230] =	vst v0  }
0x22: {  	[tilespmem:s29+$0x240] =	vst v0  }
0x23: {  	[tilespmem:s29+$0x250] =	vst v0  }
0x24: {  	[tilespmem:s29+$0x260] =	vst v0  }
0x25: {  	[spmem:s7] =	stream.linear.scatter [tilespmem:s20], [sflag:$0x1], $0x4000, $0x38;
	[tilespmem:$0x1C200] =	vst v63  }
0x26: {  	_ = 	snop  }
0x27: {  	[spmem:s8] =	stream.linear.scatter [tilespmem:s20], [sflag:$0x1], $0x4000, $0x38;
	[tilespmem:$0x1C200] =	vst v63  }
0x28: {  	_ = 	snop  }
0x29: {  	[spmem:s9] =	stream.linear.scatter [tilespmem:s20], [sflag:$0x1], $0x4000, $0x38;
	[tilespmem:$0x1C200] =	vst v63  }
0x2a: {  	_ = 	snop  }
0x2b: {  	[spmem:s10] =	stream.linear.scatter [tilespmem:s20], [sflag:$0x1], $0x4000, $0x38;
	[tilespmem:$0x1C200] =	vst v63  }
0x2c: {  	_ = 	snop  }
0x2d: {  	[spmem:s11] =	stream.linear.scatter [tilespmem:s20], [sflag:$0x1], $0x4000, $0x38;
	[tilespmem:$0x1C200] =	vst v63  }
0x2e: {  	_ =	swait.ge [sflag:s21], $0x4000  }
0x2f: {  	[sflag:s21] =	ssyncset.done $0x0  }
0x30: {  	[sflag:s21] =	ssyncadd.s32 $0xFFFFC000  }
0x31: {  	_ =	swait.ge [sflag:s21], $0x4000  }
0x32: {  	[sflag:s21] =	ssyncset.done $0x0  }
0x33: {  	[sflag:s21] =	ssyncadd.s32 $0xFFFFC000  }
0x34: {  	_ =	swait.ge [sflag:s21], $0x4000  }
0x35: {  	[sflag:s21] =	ssyncset.done $0x0  }
0x36: {  	[sflag:s21] =	ssyncadd.s32 $0xFFFFC000  }
0x37: {  	_ =	swait.ge [sflag:s21], $0x4000  }
0x38: {  	[sflag:s21] =	ssyncset.done $0x0  }
0x39: {  	[sflag:s21] =	ssyncadd.s32 $0xFFFFC000  }
0x3a: {  	_ =	swait.ge [sflag:s21], $0x4000  }
0x3b: {  	[sflag:s21] =	ssyncset.done $0x0  }
0x3c: {  	[sflag:s21] =	ssyncadd.s32 $0xFFFFC000  }
0x3d: {  	s30 =	simm.s32 $0x0;
	[bflag:$0x0] =	sbarrier.arrive $0xFFFF  }
0x3e: {  	[tilespmem:s30], [sflag:$0x7] =	stream.linear.gather [hbm4b:s12+s30], $0x80, $0x38;
	[tilespmem:$0x1C200] =	vst v63  }
0x3f: {  	_ = 	snop  }
0x40: {  	[tilespmem:s22], [sflag:$0x8] =	stream.linear.gather [hbm4b:s14+s30], $0x80, $0x38;
	[tilespmem:$0x1C200] =	vst v63  }
0x41: {  	s0 =	simm.s32 $0x100  }
0x42: {  	[tilespmem:s0], [sflag:$0x3] =	stream.linear.gather [hbm4b:s16+s30], $0x80, $0x38;
	[tilespmem:$0x1C200] =	vst v63  }
0x43: {  	_ =	swait.ge [sflag:s24], $0x80  }
0x44: {  	[sflag:s24] =	ssyncset.done $0x0  }
0x45: {  	[sflag:s24] =	ssyncadd.s32 $0xFFFFFF80  }
0x46: {  	[tilespmem:s20], [sflag:$0x1] =	stream.indirect.gather [hbm4b:s1+s22], $0x80, s30, s22, $0xb8;
	[tilespmem:$0x1C200] =	vst v63  }
.LBB2_4:
0x47: {  	s29 =	sand.u32 $0x1, s30  }
0x48: {  	p1 =	seq.s32 s29, $0x1  }
0x49: {  	s29 =	sadd.s32 @p1 $0x1, s30  }
0x4a: {  	p2 =	sge.u32 @p1 s29, s6  }
0x4b: {  	p2 =	por p2, !p1  }
0x4c: {  	s31 =	simm.s32 @!p2 $0x5  }
0x4d: {  	_ =	swait.ge @!p2 [sflag:s31], $0x4000  }
0x4e: {  	[sflag:s31] =	ssyncset.done @!p2 $0x0  }
0x4f: {  	s0 =	sshll.u32 @!p2 s29, $0xC;
	[sflag:s31] =	ssyncadd.s32 @!p2 $0xFFFFC000;
	s31 =	simm.s32 @!p2 $0x7  }
0x50: {  	s0 =	sadd.s32 @!p2 s0, s15;
	_ =	swait.ge @!p2 [sflag:s31], $0x80  }
0x51: {  	s4 =	simm.s32 @!p2 $0x100;
	s0 =	sshrl.u32 @!p2 s0, $0x3;
	[sflag:s31] =	ssyncset.done @!p2 $0x0  }
0x52: {  	s0 =	sadd.s32 @!p2 s2, s0;
	[sflag:s31] =	ssyncadd.s32 @!p2 $0xFFFFFF80;
	s31 =	simm.s32 @!p2 $0x0  }
0x53: {  	[tilespmem:s4], [sflag:$0x3] =	stream.linear.gather @!p2 [hbm4b:s0+s31], $0x80, $0x38;
	[tilespmem:$0x1C200] =	vst v63  }
0x54: {  	s0 =	simm.s32 @!p2 $0x80;
	s4 =	simm.s32 @!p2 $0x200  }
0x55: {  	[tilespmem:s4], [sflag:$0x1] =	stream.indirect.gather @!p2 [hbm4b:s1+s0], $0x80, s31, s0, $0xb8;
	[tilespmem:$0x1C200] =	vst v63  }
0x56: {  	s0 =	sadd.s32 @p1 $0x2, s30  }
0x57: {  	p2 =	sge.u32 @p1 s0, s6  }
0x58: {  	s4 =	simm.s32 @p1 $0x2;
	p2 =	por p2, !p1  }
0x59: {  	_ =	swait.ge @p1 [sflag:s4], $0x4000;
	s0 =	sshll.u32 @!p2 s0, $0xC  }
0x5a: {  	[sflag:s4] =	ssyncset.done @p1 $0x0;
	s0 =	sor.u32 @!p2 s13, s0  }
0x5b: {  	[sflag:s4] =	ssyncadd.s32 @p1 $0xFFFFC000;
	s0 =	sshrl.u32 @!p2 s0, $0x3  }
0x5c: {  	s4 =	simm.s32 @!p2 $0x0;
	s31 =	simm.s32 @!p2 $0x80;
	s0 =	sadd.s32 @!p2 s2, s0  }
0x5d: {  	[tilespmem:s31], [sflag:$0x8] =	stream.linear.gather @!p2 [hbm4b:s0+s4], $0x80, $0x38;
	[tilespmem:$0x1C200] =	vst v63  }
0x5e: {  	s0 =	simm.s32 @p1 $0x4  }
0x5f: {  	_ =	swait.ge @p1 [sflag:s0], $0x80  }
0x60: {  	s4 =	simm.s32 @p1 $0x180;
	[sflag:s0] =	ssyncset.done @p1 $0x0  }
0x61: {  	s31 =	simm.s32 @p1 $0x4200;
	[sflag:s0] =	ssyncadd.s32 @p1 $0xFFFFFF80;
	s0 =	simm.s32 @p1 $0x80  }
0x62: {  	[spmem:s3] =	stream.indirect.scatter.add.f32 @p1 [tilespmem:s31], [sflag:$0x6], $0x80, s4, s0, $0xb8;
	[tilespmem:$0x1C200] =	vst v63  }
0x63: {  	s0 =	sor.u32 @!p1 $0x1, s30  }
0x64: {  	p3 =	sge.u32 @!p1 s0, s6  }
0x65: {  	p2 =	por p3, p1  }
0x66: {  	p4 =	seq.s32 @!p2 s30, $0x0  }
0x67: {  	p3 =	por @!p1 p4, p3  }
0x68: {  	p3 =	por p3, p1  }
0x69: {  	s4 =	simm.s32 @!p3 $0x6  }
0x6a: {  	_ =	swait.ge @!p3 [sflag:s4], $0x4000  }
0x6b: {  	[sflag:s4] =	ssyncset.done @!p3 $0x0  }
0x6c: {  	[sflag:s4] =	ssyncadd.s32 @!p3 $0xFFFFC000;
	s4 =	simm.s32 @!p2 $0x8  }
0x6d: {  	s31 =	sshll.u32 @!p2 s0, $0xC;
	_ =	swait.ge @!p2 [sflag:s4], $0x80  }
0x6e: {  	s31 =	sadd.s32 @!p2 s31, s15;
	[sflag:s4] =	ssyncset.done @!p2 $0x0  }
0x6f: {  	[sflag:s4] =	ssyncadd.s32 @!p2 $0xFFFFFF80;
	s4 =	sshrl.u32 @!p2 s31, $0x3  }
0x70: {  	s23 =	simm.s32 @!p2 $0x180;
	s31 =	simm.s32 @!p2 $0x0;
	s4 =	sadd.s32 @!p2 s2, s4  }
0x71: {  	[tilespmem:s23], [sflag:$0x4] =	stream.linear.gather @!p2 [hbm4b:s4+s31], $0x80, $0x38;
	[tilespmem:$0x1C200] =	vst v63  }
0x72: {  	s4 =	simm.s32 @!p2 $0x80;
	s23 =	simm.s32 @!p2 $0x4200  }
0x73: {  	[tilespmem:s23], [sflag:$0x2] =	stream.indirect.gather @!p2 [hbm4b:s1+s4], $0x80, s4, s4, $0xb8;
	[tilespmem:$0x1C200] =	vst v63  }
0x74: {  	s4 =	sadd.s32 @!p1 $0x2, s30  }
0x75: {  	p2 =	sge.u32 @!p1 s4, s6  }
0x76: {  	p2 =	por p2, p1  }
0x77: {  	s23 =	simm.s32 @!p1 $0x1;
	s4 =	sshll.u32 @!p2 s4, $0xC  }
0x78: {  	_ =	swait.ge @!p1 [sflag:s23], $0x4000;
	s4 =	sor.u32 @!p2 s13, s4  }
0x79: {  	[sflag:s23] =	ssyncset.done @!p1 $0x0;
	s4 =	sshrl.u32 @!p2 s4, $0x3  }
0x7a: {  	[sflag:s23] =	ssyncadd.s32 @!p1 $0xFFFFC000;
	s23 =	simm.s32 @!p2 $0x0;
	s4 =	sadd.s32 @!p2 s2, s4  }
0x7b: {  	[tilespmem:s23], [sflag:$0x7] =	stream.linear.gather @!p2 [hbm4b:s4+s23], $0x80, $0x38;
	[tilespmem:$0x1C200] =	vst v63  }
0x7c: {  	s4 =	simm.s32 @!p1 $0x3  }
0x7d: {  	_ =	swait.ge @!p1 [sflag:s4], $0x80  }
0x7e: {  	s0 =	smov.u32 @p1 s29;
	s30 =	simm.s32 @!p1 $0x200;
	[sflag:s4] =	ssyncset.done @!p1 $0x0  }
0x7f: {  	s23 =	simm.s32 @!p1 $0x100;
	[sflag:s4] =	ssyncadd.s32 @!p1 $0xFFFFFF80;
	s4 =	simm.s32 @!p1 $0x80  }
0x80: {  	[spmem:s3] =	stream.indirect.scatter.add.f32 @!p1 [tilespmem:s30], [sflag:$0x5], $0x80, s23, s4, $0xb8;
	[tilespmem:$0x1C200] =	vst v63  }
0x81: {  	p1 =	sne.s32 s0, s6  }
.Ltmp1:
0x82: {  	_ = 	snop;
	(pc) =	sbr.rel @p1 .LBB2_4-.Ltmp1, $2  }
0x83: {  	_ =	sdelay $0x2  }
0x84: {  	s30 =	smov.u32 s0  }
0x85: {  	_ =	swait.ge [sflag:s26], $0x4000  }
0x86: {  	[sflag:s26] =	ssyncset.done $0x0  }
0x87: {  	[sflag:s26] =	ssyncadd.s32 $0xFFFFC000  }
0x88: {  	_ =	swait.ge [sflag:s28], $0x4000  }
0x89: {  	[sflag:s28] =	ssyncset.done $0x0  }
0x8a: {  	[sflag:s28] =	ssyncadd.s32 $0xFFFFC000  }
0x8b: {  	s0 =	simm.s32 @p0 $0x1FC9;
	[bflag:$0x0] =	sbarrier.arrive $0xFFFF  }
0x8c: {  	[hbm:s18], [sflag:s0] =	dma.local @p0 [spmem:s25], $0x1900  }
0x8d: {  	s0 =	simm.s32 @p0 $0x9  }
0x8e: {  	s4 =	stileid.u32;
	s5 =	sadd.s32 $0x1, s5;
	_ =	swait.ge @p0 [sflag:s0], $0x1900  }
0x8f: {  	s4 =	sshll.u32 @!p0 s4, $0x6;
	p1 =	sne.s32 s5, s19;
	[sflag:s0] =	ssyncset.done @p0 $0x0  }
0x90: {  	[sflag:s0] =	ssyncadd.s32 @p0 $0xFFFFE700;
	s0 =	sor.u32 @!p0 $0x1C09, s4;
	s4 =	sshrl.u32 @!p0 s7, $0x3  }
0x91: {  	[hbm:s17], [sflag:s0] =	dma.local @!p0 [spmem:s4], $0x2800  }
.Ltmp2:
0x92: {  	_ = 	snop;
	(pc) =	sbr.rel @p1 .LBB2_1-.Ltmp2, $4  }
0x93: {  	s0 =	simm.s32 @!p0 $0x9  }
0x94: {  	_ =	swait.ge @!p0 [sflag:s0], $0x2800  }
0x95: {  	[sflag:s0] =	ssyncset.done @!p0 $0x0  }
0x96: {  	[sflag:s0] =	ssyncadd.s32 @!p0 $0xFFFFD800  }
0x97: {  	_ =	sfence.sel $0x180000  }
0x98: {  	[bflag:$0x0] =	sbarrier.arrive $0xFFFF  }
0x99: {  	_ =	strace $0x90000047  }
0x9a: {  	s0 =	stileid.u32;
	[bflag:$0x2] =	sbarrier.arrive $0xFFFF  }
0x9b: {  	p0 =	sne.s32 s0, $0x0;
	s0 =	rddreg [dreg:$0x4]  }
0x9c: {  	s0 =	sadd.s32 @!p0 $0x100000, s0  }
0x9d: {  	[sflag:s0] =	ssyncadd.tile.s32 @!p0 $0x1;
	_ =	shalt  }
.Lfunc_end2:
_tile_overlayer_lowered:
.L_overlay_start_2:
0x9e: {  	(tag) =	ssettag $0x2  }
0x9f: {  	s0 =	rddreg [dreg:$0x0];
	s2 =	stileid.u32  }
0xa0: {  	s1 =	rddreg [dreg:$0x1];
	p0 =	sne.s32 s2, $0x0  }
0xa1: {  	s3 =	rddreg [dreg:$0x2];
	[bflag:$0x3] =	sbarrier.arrive $0xFFFF;
	s2 =	simm.s32 @!p0 $0x1C09  }
0xa2: {  	[timem:s3], [sflag:s2] =	dma.local @!p0 [hbm:s0], s1  }
0xa3: {  	s0 =	simm.s32 @!p0 $0x9  }
0xa4: {  	_ =	swait.ge @!p0 [sflag:s0], s1  }
0xa5: {  	s1 =	ssub.s32 @!p0 $0x0, s1;
	[sflag:s0] =	ssyncset.done @!p0 $0x0  }
0xa6: {  	[sflag:s0] =	ssyncadd.s32 @!p0 s1  }
0xa7: {  	[bflag:$0x3] =	sbarrier.arrive $0xFFFF  }
0xa8: {  	_ =	shalt  }

</sc_bundles>
